<compile_context>
chip_gen: v7x
topology: tpu7x:2x2x1
jax: 0.10.2.dev20260603
libtpu: 0.0.44.dev20260713+nightly
codegen_flags: <defaults>
</compile_context>

<pallas_src>
import functools
import math

import jax
import jax.numpy as jnp
from jax import lax
from jax.experimental import pallas as pl
from jax.experimental.pallas import tpu as pltpu
from jax.experimental.pallas import tpu_sc as plsc

N = 10000
E = 320000
D = 128
BN_EPS = 1e-5

NC = 2
NS = 16
NW = NC * NS
CHUNK = 128
LANES = 16

EDGES_PER_W = -(-E // (NW * CHUNK)) * CHUNK
E_PAD = EDGES_PER_W * NW
N_CHUNKS = EDGES_PER_W // CHUNK
ROWS_PER_TILE = 640
N_PAD = ROWS_PER_TILE * NS


def _seg_sum_body(with_counts, x_hbm, src_hbm, dst_hbm, z2d_hbm, z1d_hbm,
                  acc_out, cnt_out, src_v, dst_v, rows_v, ones_v, acc_sh,
                  cnt_sh, gsem, csem):
    c = lax.axis_index("c")
    s = lax.axis_index("s")
    w = c * NS + s
    lo = s * ROWS_PER_TILE

    pltpu.sync_copy(z2d_hbm, acc_sh.at[pl.ds(lo, ROWS_PER_TILE)])
    if with_counts:
        pltpu.sync_copy(z1d_hbm, cnt_sh.at[pl.ds(lo, ROWS_PER_TILE)])
        for k in range(CHUNK // LANES):
            ones_v[pl.ds(LANES * k, LANES)] = jnp.ones((LANES,), jnp.float32)
    pltpu.sync_copy(src_hbm.at[w], src_v)
    pltpu.sync_copy(dst_hbm.at[w], dst_v)
    plsc.subcore_barrier()

    def step(j, carry):
        pltpu.async_copy(x_hbm.at[src_v.at[j]], rows_v, gsem).wait()
        if with_counts:
            pltpu.async_copy(ones_v, cnt_sh.at[dst_v.at[j]], csem, add=True)
        pltpu.sync_copy(rows_v, acc_sh.at[dst_v.at[j]], add=True)
        if with_counts:
            pltpu.make_async_copy(ones_v, cnt_sh.at[dst_v.at[j]], csem).wait()
        return carry

    lax.fori_loop(0, N_CHUNKS, step, 0)
    plsc.subcore_barrier()

    pltpu.sync_copy(acc_sh.at[pl.ds(lo, ROWS_PER_TILE)],
                    acc_out.at[c, pl.ds(lo, ROWS_PER_TILE)])
    if with_counts:
        pltpu.sync_copy(cnt_sh.at[pl.ds(lo, ROWS_PER_TILE)],
                        cnt_out.at[c, pl.ds(lo, ROWS_PER_TILE)])


def _make_seg_sum(with_counts):
    mesh = plsc.VectorSubcoreMesh(core_axis_name="c", subcore_axis_name="s")
    return pl.kernel(
        functools.partial(_seg_sum_body, with_counts),
        out_type=(
            jax.ShapeDtypeStruct((NC, N_PAD, D), jnp.float32),
            jax.ShapeDtypeStruct((NC, N_PAD), jnp.float32),
        ),
        mesh=mesh,
        scratch_types=(
            pltpu.VMEM((N_CHUNKS, CHUNK), jnp.int32),
            pltpu.VMEM((N_CHUNKS, CHUNK), jnp.int32),
            pltpu.VMEM((CHUNK, D), jnp.float32),
            pltpu.VMEM((CHUNK,), jnp.float32),
            pltpu.VMEM_SHARED((N_PAD, D), jnp.float32),
            pltpu.VMEM_SHARED((N_PAD,), jnp.float32),
            pltpu.SemaphoreType.DMA,
            pltpu.SemaphoreType.DMA,
        ),
    )


_seg_sum_cnt = _make_seg_sum(True)
_seg_sum = _make_seg_sum(False)

BN_ROWS = 1000


def _dense1_body(acc_ref, cnt_ref, x_ref, wl_ref, bl_ref, wr_ref, g_ref,
                 be_ref, o_ref):
    a = acc_ref[0] + acc_ref[1]
    cnt = cnt_ref[0] + cnt_ref[1]
    aggr = a / jnp.maximum(cnt, 1.0)
    h = (jnp.dot(aggr, wl_ref[...], preferred_element_type=jnp.float32)
         + bl_ref[...]
         + jnp.dot(x_ref[...], wr_ref[...], preferred_element_type=jnp.float32))
    h = h * (g_ref[...] / math.sqrt(1.0 + BN_EPS)) + be_ref[...]
    o_ref[...] = jnp.maximum(h, 0.0)


def _dense2_body(acc_ref, cnt_ref, x_ref, wl_ref, bl_ref, wr_ref, o_ref):
    a = acc_ref[0] + acc_ref[1]
    cnt = cnt_ref[0] + cnt_ref[1]
    aggr = a / jnp.maximum(cnt, 1.0)
    h = (jnp.dot(aggr, wl_ref[...], preferred_element_type=jnp.float32)
         + bl_ref[...]
         + jnp.dot(x_ref[...], wr_ref[...], preferred_element_type=jnp.float32))
    norm = jnp.sqrt(jnp.sum(h * h, axis=-1, keepdims=True))
    o_ref[...] = h / jnp.maximum(norm, 1e-12)


def _dense_call(body, n_extra):
    grid = N // BN_ROWS
    w_spec = pl.BlockSpec((D, D), lambda i: (0, 0))
    v_spec = pl.BlockSpec((1, D), lambda i: (0, 0))
    extra = [w_spec, v_spec, w_spec] + [v_spec] * n_extra
    return pl.pallas_call(
        body,
        grid=(grid,),
        in_specs=[
            pl.BlockSpec((NC, BN_ROWS, D), lambda i: (0, i, 0)),
            pl.BlockSpec((NC, BN_ROWS, 1), lambda i: (0, i, 0)),
            pl.BlockSpec((BN_ROWS, D), lambda i: (i, 0)),
        ] + extra,
        out_specs=pl.BlockSpec((BN_ROWS, D), lambda i: (i, 0)),
        out_shape=jax.ShapeDtypeStruct((N, D), jnp.float32),
    )


def kernel(x, edge_index, W1l, b1l, W1r, g1, be1, W2l, b2l, W2r):
    src = edge_index[0].astype(jnp.int32)
    dst = edge_index[1].astype(jnp.int32)
    pad = E_PAD - E
    src = jnp.concatenate([src, jnp.zeros((pad,), jnp.int32)])
    dst = jnp.concatenate([dst, jnp.full((pad,), N, jnp.int32)])
    src3 = src.reshape(NW, N_CHUNKS, CHUNK)
    dst3 = dst.reshape(NW, N_CHUNKS, CHUNK)
    z2d = jnp.zeros((ROWS_PER_TILE, D), jnp.float32)
    z1d = jnp.zeros((ROWS_PER_TILE,), jnp.float32)

    acc1, cnt = _seg_sum_cnt(x, src3, dst3, z2d, z1d)
    acc1 = acc1[:, :N]
    cntN = cnt[:, :N].reshape(NC, N, 1)

    h = _dense_call(_dense1_body, 2)(
        acc1, cntN, x, W1l, b1l.reshape(1, D), W1r, g1.reshape(1, D),
        be1.reshape(1, D))

    acc2, _ = _seg_sum(h, src3, dst3, z2d, z1d)
    acc2 = acc2[:, :N]

    out = _dense_call(_dense2_body, 0)(
        acc2, cntN, h, W2l, b2l.reshape(1, D), W2r)
    return out

# --- scband reference (transcript-rebuilt; emitter-appended) ---
"""Pipeline reference for scband-graph-sageencoder-3066606649989 (READ-ONLY COPY).

The authoritative reference and input builder live on the scoring server;
editing this copy changes nothing except your own understanding.
"""

import jax, jax.numpy as jnp
import numpy as np

N = 10000
E = 320000
D = 128
BN_EPS = 1e-5


def setup_inputs(seed: int = 0) -> dict:
    key = jax.random.key(seed)
    ks = jax.random.split(key, 12)
    x = jax.random.normal(ks[0], (N, D), dtype=jnp.float32)
    edge_index = jax.random.randint(ks[1], (2, E), 0, N, dtype=jnp.int64)
    s = 0.05
    # SAGEConv layer 1 (in=128 -> hidden=128): lin_l (on aggregated neighbors, bias) + lin_r (on root, no bias)
    W1l = jax.random.normal(ks[2], (D, D), dtype=jnp.float32) * s
    b1l = jnp.zeros((D,), dtype=jnp.float32)
    W1r = jax.random.normal(ks[3], (D, D), dtype=jnp.float32) * s
    # BatchNorm1d params (eval mode: running_mean=0, running_var=1)
    g1 = jnp.ones((D,), dtype=jnp.float32)
    be1 = jnp.zeros((D,), dtype=jnp.float32)
    # SAGEConv layer 2 (hidden=128 -> out=128)
    W2l = jax.random.normal(ks[4], (D, D), dtype=jnp.float32) * s
    b2l = jnp.zeros((D,), dtype=jnp.float32)
    W2r = jax.random.normal(ks[5], (D, D), dtype=jnp.float32) * s
    return {"x": x, "edge_index": edge_index, "W1l": W1l, "b1l": b1l, "W1r": W1r,
            "g1": g1, "be1": be1, "W2l": W2l, "b2l": b2l, "W2r": W2r}


def _sage_conv(x, src, dst, Wl, bl, Wr, n_nodes):
    # message = x[src]; mean-aggregate at dst; out = lin_l(aggr) + lin_r(x)
    msgs = jnp.take(x, src, axis=0)
    summed = jax.ops.segment_sum(msgs, dst, num_segments=n_nodes)
    cnt = jax.ops.segment_sum(jnp.ones((src.shape[0], 1), dtype=x.dtype), dst, num_segments=n_nodes)
    aggr = summed / jnp.maximum(cnt, 1.0)
    return aggr @ Wl + bl + x @ Wr


def reference(x, edge_index, W1l, b1l, W1r, g1, be1, W2l, b2l, W2r):
    src = edge_index[0]
    dst = edge_index[1]
    # Layer 1: SAGEConv -> BatchNorm1d (eval: running stats 0/1) -> ReLU -> Dropout(eval: identity)
    h = _sage_conv(x, src, dst, W1l, b1l, W1r, N)
    h = (h - 0.0) / jnp.sqrt(1.0 + BN_EPS) * g1 + be1
    h = jax.nn.relu(h)
    # dropout: identity in eval mode
    # Layer 2: SAGEConv -> L2 normalize
    h = _sage_conv(h, src, dst, W2l, b2l, W2r, N)
    norm = jnp.linalg.norm(h, ord=2, axis=-1, keepdims=True)
    h = h / jnp.maximum(norm, 1e-12)
    return h

if __name__ == "__main__":
    import jax
    _d = setup_inputs()
    print(jax.jit(kernel)(*tuple(_d.values())))

</pallas_src>

<mosaic_0001>
#map = affine_map<(d0, d1) -> (0, 0)>
#map1 = affine_map<(d0, d1) -> (0, 0, 0)>
#map2 = affine_map<(d0, d1) -> (0)>
module attributes {stable_mosaic.version = 14 : i64} {
  func.func @_seg_sum_body(%arg0: i32, %arg1: i32, %arg2: memref<10000x128xf32, #tpu.memory_space<hbm>>, %arg3: memref<32x79x128xi32, #tpu.memory_space<hbm>>, %arg4: memref<32x79x128xi32, #tpu.memory_space<hbm>>, %arg5: memref<640x128xf32, #tpu.memory_space<hbm>>, %arg6: memref<640xf32, #tpu.memory_space<hbm>>, %arg7: memref<2x10240x128xf32, #tpu.memory_space<hbm>>, %arg8: memref<2x10240xf32, #tpu.memory_space<hbm>>, %arg9: memref<79x128xi32, #tpu.memory_space<vmem>>, %arg10: memref<79x128xi32, #tpu.memory_space<vmem>>, %arg11: memref<128x128xf32, #tpu.memory_space<vmem>>, %arg12: memref<128xf32, #tpu.memory_space<vmem>>, %arg13: memref<10240x128xf32, #tpu.memory_space<vmem_shared>>, %arg14: memref<10240xf32, #tpu.memory_space<vmem_shared>>, %arg15: memref<!tpu.dma_semaphore, #tpu.memory_space<semaphore_mem>>, %arg16: memref<!tpu.dma_semaphore, #tpu.memory_space<semaphore_mem>>) attributes {dimension_semantics = [#tpu.dimension_semantics<core_parallel>, #tpu.dimension_semantics<subcore_parallel>], iteration_bounds = array<i64: 2, 16>, scalar_prefetch = 0 : i64, scratch_operands = 8 : i64, tpu.core_type = #tpu.core_type<sc_vector_subcore>, window_params = [{transform_indices = #map}, {transform_indices = #map1}, {transform_indices = #map1}, {transform_indices = #map}, {transform_indices = #map2}, {transform_indices = #map1}, {transform_indices = #map}]} {
    %mul3A = arith.constant 16 : i32
    %mul3A_0 = arith.muli %arg0, %mul3A : i32
    %add3A = arith.addi %mul3A_0, %arg1 : i32
    %mul3A_1 = arith.constant 640 : i32
    %mul3A_2 = arith.muli %arg1, %mul3A_1 : i32
    "tpu.region"() ({
      %run_scoped3A = tpu.sem_alloc : memref<!tpu.dma_semaphore, #tpu.memory_space<semaphore_mem>>
      %dma_start3A = arith.constant 0 : i32
      %dma_start3A_55 = tpu.memref_slice %arg13[%mul3A_2, %dma_start3A] : memref<10240x128xf32, #tpu.memory_space<vmem_shared>> -> memref<640x128xf32, #tpu.memory_space<vmem_shared>>
      tpu.enqueue_dma source(%arg5 : memref<640x128xf32, #tpu.memory_space<hbm>>) target(%dma_start3A_55 : memref<640x128xf32, #tpu.memory_space<vmem_shared>>) target_semaphore(%run_scoped3A : memref<!tpu.dma_semaphore, #tpu.memory_space<semaphore_mem>>)
      %dma_wait3A = arith.constant 0 : i32
      %dma_wait3A_56 = tpu.memref_slice %arg13[%mul3A_2, %dma_wait3A] : memref<10240x128xf32, #tpu.memory_space<vmem_shared>> -> memref<640x128xf32, #tpu.memory_space<vmem_shared>>
      tpu.wait_dma2 semaphore(%run_scoped3A : memref<!tpu.dma_semaphore, #tpu.memory_space<semaphore_mem>>) src(%arg5 : memref<640x128xf32, #tpu.memory_space<hbm>>) dst(%dma_wait3A_56 : memref<640x128xf32, #tpu.memory_space<vmem_shared>>)
      tpu.yield
    }) : () -> ()
    "tpu.region"() ({
      %run_scoped3A = tpu.sem_alloc : memref<!tpu.dma_semaphore, #tpu.memory_space<semaphore_mem>>
      %dma_start3A = tpu.memref_slice %arg14[%mul3A_2] : memref<10240xf32, #tpu.memory_space<vmem_shared>> -> memref<640xf32, #tpu.memory_space<vmem_shared>>
      tpu.enqueue_dma source(%arg6 : memref<640xf32, #tpu.memory_space<hbm>>) target(%dma_start3A : memref<640xf32, #tpu.memory_space<vmem_shared>>) target_semaphore(%run_scoped3A : memref<!tpu.dma_semaphore, #tpu.memory_space<semaphore_mem>>)
      %dma_wait3A = tpu.memref_slice %arg14[%mul3A_2] : memref<10240xf32, #tpu.memory_space<vmem_shared>> -> memref<640xf32, #tpu.memory_space<vmem_shared>>
      tpu.wait_dma2 semaphore(%run_scoped3A : memref<!tpu.dma_semaphore, #tpu.memory_space<semaphore_mem>>) src(%arg6 : memref<640xf32, #tpu.memory_space<hbm>>) dst(%dma_wait3A : memref<640xf32, #tpu.memory_space<vmem_shared>>)
      tpu.yield
    }) : () -> ()
    %broadcast_in_dim3A = arith.constant 1.000000e+00 : f32
    %broadcast_in_dim3A_3 = vector.broadcast %broadcast_in_dim3A : f32 to vector<16xf32>
    %swap3A = arith.constant 0 : index
    %swap3A_4 = tpu.vector_load %arg12[%swap3A] {strides = array<i32>} : memref<128xf32, #tpu.memory_space<vmem>>, vector<16xf32>,
    %swap3A_5 = vector.shape_cast %swap3A_4 : vector<16xf32> to vector<16xf32>
    %swap3A_6 = vector.shape_cast %broadcast_in_dim3A_3 : vector<16xf32> to vector<16xf32>
    tpu.vector_store %arg12[%swap3A], %swap3A_6 {strides = array<i32>} : memref<128xf32, #tpu.memory_space<vmem>>, vector<16xf32>,
    %broadcast_in_dim3A_7 = arith.constant 1.000000e+00 : f32
    %broadcast_in_dim3A_8 = vector.broadcast %broadcast_in_dim3A_7 : f32 to vector<16xf32>
    %swap3A_9 = arith.constant 16 : index
    %swap3A_10 = tpu.vector_load %arg12[%swap3A_9] {strides = array<i32>} : memref<128xf32, #tpu.memory_space<vmem>>, vector<16xf32>,
    %swap3A_11 = vector.shape_cast %swap3A_10 : vector<16xf32> to vector<16xf32>
    %swap3A_12 = vector.shape_cast %broadcast_in_dim3A_8 : vector<16xf32> to vector<16xf32>
    tpu.vector_store %arg12[%swap3A_9], %swap3A_12 {strides = array<i32>} : memref<128xf32, #tpu.memory_space<vmem>>, vector<16xf32>,
    %broadcast_in_dim3A_13 = arith.constant 1.000000e+00 : f32
    %broadcast_in_dim3A_14 = vector.broadcast %broadcast_in_dim3A_13 : f32 to vector<16xf32>
    %swap3A_15 = arith.constant 32 : index
    %swap3A_16 = tpu.vector_load %arg12[%swap3A_15] {strides = array<i32>} : memref<128xf32, #tpu.memory_space<vmem>>, vector<16xf32>,
    %swap3A_17 = vector.shape_cast %swap3A_16 : vector<16xf32> to vector<16xf32>
    %swap3A_18 = vector.shape_cast %broadcast_in_dim3A_14 : vector<16xf32> to vector<16xf32>
    tpu.vector_store %arg12[%swap3A_15], %swap3A_18 {strides = array<i32>} : memref<128xf32, #tpu.memory_space<vmem>>, vector<16xf32>,
    %broadcast_in_dim3A_19 = arith.constant 1.000000e+00 : f32
    %broadcast_in_dim3A_20 = vector.broadcast %broadcast_in_dim3A_19 : f32 to vector<16xf32>
    %swap3A_21 = arith.constant 48 : index
    %swap3A_22 = tpu.vector_load %arg12[%swap3A_21] {strides = array<i32>} : memref<128xf32, #tpu.memory_space<vmem>>, vector<16xf32>,
    %swap3A_23 = vector.shape_cast %swap3A_22 : vector<16xf32> to vector<16xf32>
    %swap3A_24 = vector.shape_cast %broadcast_in_dim3A_20 : vector<16xf32> to vector<16xf32>
    tpu.vector_store %arg12[%swap3A_21], %swap3A_24 {strides = array<i32>} : memref<128xf32, #tpu.memory_space<vmem>>, vector<16xf32>,
    %broadcast_in_dim3A_25 = arith.constant 1.000000e+00 : f32
    %broadcast_in_dim3A_26 = vector.broadcast %broadcast_in_dim3A_25 : f32 to vector<16xf32>
    %swap3A_27 = arith.constant 64 : index
    %swap3A_28 = tpu.vector_load %arg12[%swap3A_27] {strides = array<i32>} : memref<128xf32, #tpu.memory_space<vmem>>, vector<16xf32>,
    %swap3A_29 = vector.shape_cast %swap3A_28 : vector<16xf32> to vector<16xf32>
    %swap3A_30 = vector.shape_cast %broadcast_in_dim3A_26 : vector<16xf32> to vector<16xf32>
    tpu.vector_store %arg12[%swap3A_27], %swap3A_30 {strides = array<i32>} : memref<128xf32, #tpu.memory_space<vmem>>, vector<16xf32>,
    %broadcast_in_dim3A_31 = arith.constant 1.000000e+00 : f32
    %broadcast_in_dim3A_32 = vector.broadcast %broadcast_in_dim3A_31 : f32 to vector<16xf32>
    %swap3A_33 = arith.constant 80 : index
    %swap3A_34 = tpu.vector_load %arg12[%swap3A_33] {strides = array<i32>} : memref<128xf32, #tpu.memory_space<vmem>>, vector<16xf32>,
    %swap3A_35 = vector.shape_cast %swap3A_34 : vector<16xf32> to vector<16xf32>
    %swap3A_36 = vector.shape_cast %broadcast_in_dim3A_32 : vector<16xf32> to vector<16xf32>
    tpu.vector_store %arg12[%swap3A_33], %swap3A_36 {strides = array<i32>} : memref<128xf32, #tpu.memory_space<vmem>>, vector<16xf32>,
    %broadcast_in_dim3A_37 = arith.constant 1.000000e+00 : f32
    %broadcast_in_dim3A_38 = vector.broadcast %broadcast_in_dim3A_37 : f32 to vector<16xf32>
    %swap3A_39 = arith.constant 96 : index
    %swap3A_40 = tpu.vector_load %arg12[%swap3A_39] {strides = array<i32>} : memref<128xf32, #tpu.memory_space<vmem>>, vector<16xf32>,
    %swap3A_41 = vector.shape_cast %swap3A_40 : vector<16xf32> to vector<16xf32>
    %swap3A_42 = vector.shape_cast %broadcast_in_dim3A_38 : vector<16xf32> to vector<16xf32>
    tpu.vector_store %arg12[%swap3A_39], %swap3A_42 {strides = array<i32>} : memref<128xf32, #tpu.memory_space<vmem>>, vector<16xf32>,
    %broadcast_in_dim3A_43 = arith.constant 1.000000e+00 : f32
    %broadcast_in_dim3A_44 = vector.broadcast %broadcast_in_dim3A_43 : f32 to vector<16xf32>
    %swap3A_45 = arith.constant 112 : index
    %swap3A_46 = tpu.vector_load %arg12[%swap3A_45] {strides = array<i32>} : memref<128xf32, #tpu.memory_space<vmem>>, vector<16xf32>,
    %swap3A_47 = vector.shape_cast %swap3A_46 : vector<16xf32> to vector<16xf32>
    %swap3A_48 = vector.shape_cast %broadcast_in_dim3A_44 : vector<16xf32> to vector<16xf32>
    tpu.vector_store %arg12[%swap3A_45], %swap3A_48 {strides = array<i32>} : memref<128xf32, #tpu.memory_space<vmem>>, vector<16xf32>,
    "tpu.region"() ({
      %run_scoped3A = tpu.sem_alloc : memref<!tpu.dma_semaphore, #tpu.memory_space<semaphore_mem>>
      %dma_start3A = arith.constant 0 : i32
      %dma_start3A_55 = arith.constant 0 : i32
      %dma_start3A_56 = tpu.memref_slice %arg3[%add3A, %dma_start3A, %dma_start3A_55] : memref<32x79x128xi32, #tpu.memory_space<hbm>> -> memref<1x79x128xi32, #tpu.memory_space<hbm>>
      %dma_start3A_57 = tpu.memref_squeeze %dma_start3A_56 : memref<1x79x128xi32, #tpu.memory_space<hbm>> -> memref<79x128xi32, #tpu.memory_space<hbm>>
      %dma_start3A_58 = arith.constant 0 : i32
      %dma_start3A_59 = arith.constant 0 : i32
      %dma_start3A_60 = tpu.memref_slice %arg3[%add3A, %dma_start3A_58, %dma_start3A_59] : memref<32x79x128xi32, #tpu.memory_space<hbm>> -> memref<1x79x128xi32, #tpu.memory_space<hbm>>
      %dma_start3A_61 = tpu.memref_squeeze %dma_start3A_60 : memref<1x79x128xi32, #tpu.memory_space<hbm>> -> memref<79x128xi32, #tpu.memory_space<hbm>>
      tpu.enqueue_dma source(%dma_start3A_61 : memref<79x128xi32, #tpu.memory_space<hbm>>) target(%arg9 : memref<79x128xi32, #tpu.memory_space<vmem>>) target_semaphore(%run_scoped3A : memref<!tpu.dma_semaphore, #tpu.memory_space<semaphore_mem>>)
      %dma_wait3A = arith.constant 0 : i32
      %dma_wait3A_62 = arith.constant 0 : i32
      %dma_wait3A_63 = tpu.memref_slice %arg3[%add3A, %dma_wait3A, %dma_wait3A_62] : memref<32x79x128xi32, #tpu.memory_space<hbm>> -> memref<1x79x128xi32, #tpu.memory_space<hbm>>
      %dma_wait3A_64 = tpu.memref_squeeze %dma_wait3A_63 : memref<1x79x128xi32, #tpu.memory_space<hbm>> -> memref<79x128xi32, #tpu.memory_space<hbm>>
      %dma_wait3A_65 = arith.constant 0 : i32
      %dma_wait3A_66 = arith.constant 0 : i32
      %dma_wait3A_67 = tpu.memref_slice %arg3[%add3A, %dma_wait3A_65, %dma_wait3A_66] : memref<32x79x128xi32, #tpu.memory_space<hbm>> -> memref<1x79x128xi32, #tpu.memory_space<hbm>>
      %dma_wait3A_68 = tpu.memref_squeeze %dma_wait3A_67 : memref<1x79x128xi32, #tpu.memory_space<hbm>> -> memref<79x128xi32, #tpu.memory_space<hbm>>
      tpu.wait_dma2 semaphore(%run_scoped3A : memref<!tpu.dma_semaphore, #tpu.memory_space<semaphore_mem>>) src(%dma_wait3A_68 : memref<79x128xi32, #tpu.memory_space<hbm>>) dst(%arg9 : memref<79x128xi32, #tpu.memory_space<vmem>>)
      tpu.yield
    }) : () -> ()
    "tpu.region"() ({
      %run_scoped3A = tpu.sem_alloc : memref<!tpu.dma_semaphore, #tpu.memory_space<semaphore_mem>>
      %dma_start3A = arith.constant 0 : i32
      %dma_start3A_55 = arith.constant 0 : i32
      %dma_start3A_56 = tpu.memref_slice %arg4[%add3A, %dma_start3A, %dma_start3A_55] : memref<32x79x128xi32, #tpu.memory_space<hbm>> -> memref<1x79x128xi32, #tpu.memory_space<hbm>>
      %dma_start3A_57 = tpu.memref_squeeze %dma_start3A_56 : memref<1x79x128xi32, #tpu.memory_space<hbm>> -> memref<79x128xi32, #tpu.memory_space<hbm>>
      %dma_start3A_58 = arith.constant 0 : i32
      %dma_start3A_59 = arith.constant 0 : i32
      %dma_start3A_60 = tpu.memref_slice %arg4[%add3A, %dma_start3A_58, %dma_start3A_59] : memref<32x79x128xi32, #tpu.memory_space<hbm>> -> memref<1x79x128xi32, #tpu.memory_space<hbm>>
      %dma_start3A_61 = tpu.memref_squeeze %dma_start3A_60 : memref<1x79x128xi32, #tpu.memory_space<hbm>> -> memref<79x128xi32, #tpu.memory_space<hbm>>
      tpu.enqueue_dma source(%dma_start3A_61 : memref<79x128xi32, #tpu.memory_space<hbm>>) target(%arg10 : memref<79x128xi32, #tpu.memory_space<vmem>>) target_semaphore(%run_scoped3A : memref<!tpu.dma_semaphore, #tpu.memory_space<semaphore_mem>>)
      %dma_wait3A = arith.constant 0 : i32
      %dma_wait3A_62 = arith.constant 0 : i32
      %dma_wait3A_63 = tpu.memref_slice %arg4[%add3A, %dma_wait3A, %dma_wait3A_62] : memref<32x79x128xi32, #tpu.memory_space<hbm>> -> memref<1x79x128xi32, #tpu.memory_space<hbm>>
      %dma_wait3A_64 = tpu.memref_squeeze %dma_wait3A_63 : memref<1x79x128xi32, #tpu.memory_space<hbm>> -> memref<79x128xi32, #tpu.memory_space<hbm>>
      %dma_wait3A_65 = arith.constant 0 : i32
      %dma_wait3A_66 = arith.constant 0 : i32
      %dma_wait3A_67 = tpu.memref_slice %arg4[%add3A, %dma_wait3A_65, %dma_wait3A_66] : memref<32x79x128xi32, #tpu.memory_space<hbm>> -> memref<1x79x128xi32, #tpu.memory_space<hbm>>
      %dma_wait3A_68 = tpu.memref_squeeze %dma_wait3A_67 : memref<1x79x128xi32, #tpu.memory_space<hbm>> -> memref<79x128xi32, #tpu.memory_space<hbm>>
      tpu.wait_dma2 semaphore(%run_scoped3A : memref<!tpu.dma_semaphore, #tpu.memory_space<semaphore_mem>>) src(%dma_wait3A_68 : memref<79x128xi32, #tpu.memory_space<hbm>>) dst(%arg10 : memref<79x128xi32, #tpu.memory_space<vmem>>)
      tpu.yield
    }) : () -> ()
    %barrier3A = arith.constant 0 : index
    tpu.barrier barrier_id(%barrier3A)
    %scan3A = arith.constant 0 : i32
    %scan3A_49 = arith.constant 0 : i32
    %scan3A_50 = arith.constant 79 : i32
    %scan3A_51 = arith.addi %scan3A_49, %scan3A_50 : i32
    %scan3A_52 = arith.constant 1 : i32
    scf.for %scan3A_55 = %scan3A_49 to %scan3A_51 step %scan3A_52  : i32 {
      %dma_start3A = arith.constant 0 : i32
      %dma_start3A_56 = tpu.memref_slice %arg9[%scan3A_55, %dma_start3A] : memref<79x128xi32, #tpu.memory_space<vmem>> -> memref<1x128xi32, #tpu.memory_space<vmem>>
      %dma_start3A_57 = tpu.memref_squeeze %dma_start3A_56 : memref<1x128xi32, #tpu.memory_space<vmem>> -> memref<128xi32, #tpu.memory_space<vmem>>
      %dma_start3A_58 = arith.constant 0 : i32
      %dma_start3A_59 = arith.constant 0 : i32
      %dma_start3A_60 = tpu.memref_slice %arg2[%dma_start3A_58, %dma_start3A_59] : memref<10000x128xf32, #tpu.memory_space<hbm>> -> memref<10000x128xf32, #tpu.memory_space<hbm>>
      tpu.enqueue_indirect_dma source(%dma_start3A_60 : memref<10000x128xf32, #tpu.memory_space<hbm>>) target(%arg11 : memref<128x128xf32, #tpu.memory_space<vmem>>) offsets(%dma_start3A_57 : memref<128xi32, #tpu.memory_space<vmem>>) semaphore(%arg15 : memref<!tpu.dma_semaphore, #tpu.memory_space<semaphore_mem>>)
      %dma_wait3A = arith.constant 0 : i32
      %dma_wait3A_61 = tpu.memref_slice %arg9[%scan3A_55, %dma_wait3A] : memref<79x128xi32, #tpu.memory_space<vmem>> -> memref<1x128xi32, #tpu.memory_space<vmem>>
      %dma_wait3A_62 = tpu.memref_squeeze %dma_wait3A_61 : memref<1x128xi32, #tpu.memory_space<vmem>> -> memref<128xi32, #tpu.memory_space<vmem>>
      %dma_wait3A_63 = arith.constant 0 : i32
      %dma_wait3A_64 = arith.constant 0 : i32
      %dma_wait3A_65 = tpu.memref_slice %arg2[%dma_wait3A_63, %dma_wait3A_64] : memref<10000x128xf32, #tpu.memory_space<hbm>> -> memref<10000x128xf32, #tpu.memory_space<hbm>>
      tpu.wait_indirect_dma semaphore(%arg15 : memref<!tpu.dma_semaphore, #tpu.memory_space<semaphore_mem>>) src(%dma_wait3A_65 : memref<10000x128xf32, #tpu.memory_space<hbm>>) dst(%arg11 : memref<128x128xf32, #tpu.memory_space<vmem>>)
      %dma_start3A_66 = arith.constant 0 : i32
      %dma_start3A_67 = tpu.memref_slice %arg10[%scan3A_55, %dma_start3A_66] : memref<79x128xi32, #tpu.memory_space<vmem>> -> memref<1x128xi32, #tpu.memory_space<vmem>>
      %dma_start3A_68 = tpu.memref_squeeze %dma_start3A_67 : memref<1x128xi32, #tpu.memory_space<vmem>> -> memref<128xi32, #tpu.memory_space<vmem>>
      %dma_start3A_69 = arith.constant 0 : i32
      %dma_start3A_70 = tpu.memref_slice %arg14[%dma_start3A_69] : memref<10240xf32, #tpu.memory_space<vmem_shared>> -> memref<10240xf32, #tpu.memory_space<vmem_shared>>
      tpu.enqueue_indirect_dma source(%arg12 : memref<128xf32, #tpu.memory_space<vmem>>) target(%dma_start3A_70 : memref<10240xf32, #tpu.memory_space<vmem_shared>>) offsets(%dma_start3A_68 : memref<128xi32, #tpu.memory_space<vmem>>) semaphore(%arg16 : memref<!tpu.dma_semaphore, #tpu.memory_space<semaphore_mem>>) {add = true}
      "tpu.region"() ({
        %run_scoped3A = tpu.sem_alloc : memref<!tpu.dma_semaphore, #tpu.memory_space<semaphore_mem>>
        %dma_start3A_76 = arith.constant 0 : i32
        %dma_start3A_77 = tpu.memref_slice %arg10[%scan3A_55, %dma_start3A_76] : memref<79x128xi32, #tpu.memory_space<vmem>> -> memref<1x128xi32, #tpu.memory_space<vmem>>
        %dma_start3A_78 = tpu.memref_squeeze %dma_start3A_77 : memref<1x128xi32, #tpu.memory_space<vmem>> -> memref<128xi32, #tpu.memory_space<vmem>>
        %dma_start3A_79 = arith.constant 0 : i32
        %dma_start3A_80 = arith.constant 0 : i32
        %dma_start3A_81 = tpu.memref_slice %arg13[%dma_start3A_79, %dma_start3A_80] : memref<10240x128xf32, #tpu.memory_space<vmem_shared>> -> memref<10240x128xf32, #tpu.memory_space<vmem_shared>>
        tpu.enqueue_indirect_dma source(%arg11 : memref<128x128xf32, #tpu.memory_space<vmem>>) target(%dma_start3A_81 : memref<10240x128xf32, #tpu.memory_space<vmem_shared>>) offsets(%dma_start3A_78 : memref<128xi32, #tpu.memory_space<vmem>>) semaphore(%run_scoped3A : memref<!tpu.dma_semaphore, #tpu.memory_space<semaphore_mem>>) {add = true}
        %dma_wait3A_82 = arith.constant 0 : i32
        %dma_wait3A_83 = tpu.memref_slice %arg10[%scan3A_55, %dma_wait3A_82] : memref<79x128xi32, #tpu.memory_space<vmem>> -> memref<1x128xi32, #tpu.memory_space<vmem>>
        %dma_wait3A_84 = tpu.memref_squeeze %dma_wait3A_83 : memref<1x128xi32, #tpu.memory_space<vmem>> -> memref<128xi32, #tpu.memory_space<vmem>>
        %dma_wait3A_85 = arith.constant 0 : i32
        %dma_wait3A_86 = arith.constant 0 : i32
        %dma_wait3A_87 = tpu.memref_slice %arg13[%dma_wait3A_85, %dma_wait3A_86] : memref<10240x128xf32, #tpu.memory_space<vmem_shared>> -> memref<10240x128xf32, #tpu.memory_space<vmem_shared>>
        tpu.wait_indirect_dma semaphore(%run_scoped3A : memref<!tpu.dma_semaphore, #tpu.memory_space<semaphore_mem>>) src(%arg11 : memref<128x128xf32, #tpu.memory_space<vmem>>) dst(%dma_wait3A_87 : memref<10240x128xf32, #tpu.memory_space<vmem_shared>>)
        tpu.yield
      }) : () -> ()
      %dma_wait3A_71 = arith.constant 0 : i32
      %dma_wait3A_72 = tpu.memref_slice %arg10[%scan3A_55, %dma_wait3A_71] : memref<79x128xi32, #tpu.memory_space<vmem>> -> memref<1x128xi32, #tpu.memory_space<vmem>>
      %dma_wait3A_73 = tpu.memref_squeeze %dma_wait3A_72 : memref<1x128xi32, #tpu.memory_space<vmem>> -> memref<128xi32, #tpu.memory_space<vmem>>
      %dma_wait3A_74 = arith.constant 0 : i32
      %dma_wait3A_75 = tpu.memref_slice %arg14[%dma_wait3A_74] : memref<10240xf32, #tpu.memory_space<vmem_shared>> -> memref<10240xf32, #tpu.memory_space<vmem_shared>>
      tpu.wait_indirect_dma semaphore(%arg16 : memref<!tpu.dma_semaphore, #tpu.memory_space<semaphore_mem>>) src(%arg12 : memref<128xf32, #tpu.memory_space<vmem>>) dst(%dma_wait3A_75 : memref<10240xf32, #tpu.memory_space<vmem_shared>>)
    }
    %scan3A_53 = arith.constant 79 : i32
    %barrier3A_54 = arith.constant 0 : index
    tpu.barrier barrier_id(%barrier3A_54)
    "tpu.region"() ({
      %run_scoped3A = tpu.sem_alloc : memref<!tpu.dma_semaphore, #tpu.memory_space<semaphore_mem>>
      %dma_start3A = arith.constant 0 : i32
      %dma_start3A_55 = tpu.memref_slice %arg7[%arg0, %mul3A_2, %dma_start3A] : memref<2x10240x128xf32, #tpu.memory_space<hbm>> -> memref<1x640x128xf32, #tpu.memory_space<hbm>>
      %dma_start3A_56 = tpu.memref_squeeze %dma_start3A_55 : memref<1x640x128xf32, #tpu.memory_space<hbm>> -> memref<640x128xf32, #tpu.memory_space<hbm>>
      %dma_start3A_57 = arith.constant 0 : i32
      %dma_start3A_58 = tpu.memref_slice %arg13[%mul3A_2, %dma_start3A_57] : memref<10240x128xf32, #tpu.memory_space<vmem_shared>> -> memref<640x128xf32, #tpu.memory_space<vmem_shared>>
      tpu.enqueue_dma source(%dma_start3A_58 : memref<640x128xf32, #tpu.memory_space<vmem_shared>>) target(%dma_start3A_56 : memref<640x128xf32, #tpu.memory_space<hbm>>) target_semaphore(%run_scoped3A : memref<!tpu.dma_semaphore, #tpu.memory_space<semaphore_mem>>)
      %dma_wait3A = arith.constant 0 : i32
      %dma_wait3A_59 = tpu.memref_slice %arg7[%arg0, %mul3A_2, %dma_wait3A] : memref<2x10240x128xf32, #tpu.memory_space<hbm>> -> memref<1x640x128xf32, #tpu.memory_space<hbm>>
      %dma_wait3A_60 = tpu.memref_squeeze %dma_wait3A_59 : memref<1x640x128xf32, #tpu.memory_space<hbm>> -> memref<640x128xf32, #tpu.memory_space<hbm>>
      %dma_wait3A_61 = arith.constant 0 : i32
      %dma_wait3A_62 = tpu.memref_slice %arg13[%mul3A_2, %dma_wait3A_61] : memref<10240x128xf32, #tpu.memory_space<vmem_shared>> -> memref<640x128xf32, #tpu.memory_space<vmem_shared>>
      tpu.wait_dma2 semaphore(%run_scoped3A : memref<!tpu.dma_semaphore, #tpu.memory_space<semaphore_mem>>) src(%dma_wait3A_62 : memref<640x128xf32, #tpu.memory_space<vmem_shared>>) dst(%dma_wait3A_60 : memref<640x128xf32, #tpu.memory_space<hbm>>)
      tpu.yield
    }) : () -> ()
    "tpu.region"() ({
      %run_scoped3A = tpu.sem_alloc : memref<!tpu.dma_semaphore, #tpu.memory_space<semaphore_mem>>
      %dma_start3A = tpu.memref_slice %arg8[%arg0, %mul3A_2] : memref<2x10240xf32, #tpu.memory_space<hbm>> -> memref<1x640xf32, #tpu.memory_space<hbm>>
      %dma_start3A_55 = tpu.memref_squeeze %dma_start3A : memref<1x640xf32, #tpu.memory_space<hbm>> -> memref<640xf32, #tpu.memory_space<hbm>>
      %dma_start3A_56 = tpu.memref_slice %arg14[%mul3A_2] : memref<10240xf32, #tpu.memory_space<vmem_shared>> -> memref<640xf32, #tpu.memory_space<vmem_shared>>
      tpu.enqueue_dma source(%dma_start3A_56 : memref<640xf32, #tpu.memory_space<vmem_shared>>) target(%dma_start3A_55 : memref<640xf32, #tpu.memory_space<hbm>>) target_semaphore(%run_scoped3A : memref<!tpu.dma_semaphore, #tpu.memory_space<semaphore_mem>>)
      %dma_wait3A = tpu.memref_slice %arg8[%arg0, %mul3A_2] : memref<2x10240xf32, #tpu.memory_space<hbm>> -> memref<1x640xf32, #tpu.memory_space<hbm>>
      %dma_wait3A_57 = tpu.memref_squeeze %dma_wait3A : memref<1x640xf32, #tpu.memory_space<hbm>> -> memref<640xf32, #tpu.memory_space<hbm>>
      %dma_wait3A_58 = tpu.memref_slice %arg14[%mul3A_2] : memref<10240xf32, #tpu.memory_space<vmem_shared>> -> memref<640xf32, #tpu.memory_space<vmem_shared>>
      tpu.wait_dma2 semaphore(%run_scoped3A : memref<!tpu.dma_semaphore, #tpu.memory_space<semaphore_mem>>) src(%dma_wait3A_58 : memref<640xf32, #tpu.memory_space<vmem_shared>>) dst(%dma_wait3A_57 : memref<640xf32, #tpu.memory_space<hbm>>)
      tpu.yield
    }) : () -> ()
    return
  }
}

#map = affine_map<(d0, d1) -> (0, 0)>
#map1 = affine_map<(d0, d1) -> (0, 0, 0)>
#map2 = affine_map<(d0, d1) -> (0)>
module attributes {stable_mosaic.version = 14 : i64} {
  func.func @_seg_sum_body(%arg0: i32, %arg1: i32, %arg2: memref<10000x128xf32, #tpu.memory_space<hbm>>, %arg3: memref<32x79x128xi32, #tpu.memory_space<hbm>>, %arg4: memref<32x79x128xi32, #tpu.memory_space<hbm>>, %arg5: memref<640x128xf32, #tpu.memory_space<hbm>>, %arg6: memref<640xf32, #tpu.memory_space<hbm>>, %arg7: memref<2x10240x128xf32, #tpu.memory_space<hbm>>, %arg8: memref<2x10240xf32, #tpu.memory_space<hbm>>, %arg9: memref<79x128xi32, #tpu.memory_space<vmem>>, %arg10: memref<79x128xi32, #tpu.memory_space<vmem>>, %arg11: memref<128x128xf32, #tpu.memory_space<vmem>>, %arg12: memref<128xf32, #tpu.memory_space<vmem>>, %arg13: memref<10240x128xf32, #tpu.memory_space<vmem_shared>>, %arg14: memref<10240xf32, #tpu.memory_space<vmem_shared>>, %arg15: memref<!tpu.dma_semaphore, #tpu.memory_space<semaphore_mem>>, %arg16: memref<!tpu.dma_semaphore, #tpu.memory_space<semaphore_mem>>) attributes {dimension_semantics = [#tpu.dimension_semantics<core_parallel>, #tpu.dimension_semantics<subcore_parallel>], iteration_bounds = array<i64: 2, 16>, scalar_prefetch = 0 : i64, scratch_operands = 8 : i64, tpu.core_type = #tpu.core_type<sc_vector_subcore>, window_params = [{transform_indices = #map}, {transform_indices = #map1}, {transform_indices = #map1}, {transform_indices = #map}, {transform_indices = #map2}, {transform_indices = #map1}, {transform_indices = #map}]} {
    %mul3A = arith.constant 16 : i32
    %mul3A_0 = arith.muli %arg0, %mul3A : i32
    %add3A = arith.addi %mul3A_0, %arg1 : i32
    %mul3A_1 = arith.constant 640 : i32
    %mul3A_2 = arith.muli %arg1, %mul3A_1 : i32
    "tpu.region"() ({
      %run_scoped3A = tpu.sem_alloc : memref<!tpu.dma_semaphore, #tpu.memory_space<semaphore_mem>>
      %dma_start3A = arith.constant 0 : i32
      %dma_start3A_9 = tpu.memref_slice %arg13[%mul3A_2, %dma_start3A] : memref<10240x128xf32, #tpu.memory_space<vmem_shared>> -> memref<640x128xf32, #tpu.memory_space<vmem_shared>>
      tpu.enqueue_dma source(%arg5 : memref<640x128xf32, #tpu.memory_space<hbm>>) target(%dma_start3A_9 : memref<640x128xf32, #tpu.memory_space<vmem_shared>>) target_semaphore(%run_scoped3A : memref<!tpu.dma_semaphore, #tpu.memory_space<semaphore_mem>>)
      %dma_wait3A = arith.constant 0 : i32
      %dma_wait3A_10 = tpu.memref_slice %arg13[%mul3A_2, %dma_wait3A] : memref<10240x128xf32, #tpu.memory_space<vmem_shared>> -> memref<640x128xf32, #tpu.memory_space<vmem_shared>>
      tpu.wait_dma2 semaphore(%run_scoped3A : memref<!tpu.dma_semaphore, #tpu.memory_space<semaphore_mem>>) src(%arg5 : memref<640x128xf32, #tpu.memory_space<hbm>>) dst(%dma_wait3A_10 : memref<640x128xf32, #tpu.memory_space<vmem_shared>>)
      tpu.yield
    }) : () -> ()
    "tpu.region"() ({
      %run_scoped3A = tpu.sem_alloc : memref<!tpu.dma_semaphore, #tpu.memory_space<semaphore_mem>>
      %dma_start3A = arith.constant 0 : i32
      %dma_start3A_9 = arith.constant 0 : i32
      %dma_start3A_10 = tpu.memref_slice %arg3[%add3A, %dma_start3A, %dma_start3A_9] : memref<32x79x128xi32, #tpu.memory_space<hbm>> -> memref<1x79x128xi32, #tpu.memory_space<hbm>>
      %dma_start3A_11 = tpu.memref_squeeze %dma_start3A_10 : memref<1x79x128xi32, #tpu.memory_space<hbm>> -> memref<79x128xi32, #tpu.memory_space<hbm>>
      %dma_start3A_12 = arith.constant 0 : i32
      %dma_start3A_13 = arith.constant 0 : i32
      %dma_start3A_14 = tpu.memref_slice %arg3[%add3A, %dma_start3A_12, %dma_start3A_13] : memref<32x79x128xi32, #tpu.memory_space<hbm>> -> memref<1x79x128xi32, #tpu.memory_space<hbm>>
      %dma_start3A_15 = tpu.memref_squeeze %dma_start3A_14 : memref<1x79x128xi32, #tpu.memory_space<hbm>> -> memref<79x128xi32, #tpu.memory_space<hbm>>
      tpu.enqueue_dma source(%dma_start3A_15 : memref<79x128xi32, #tpu.memory_space<hbm>>) target(%arg9 : memref<79x128xi32, #tpu.memory_space<vmem>>) target_semaphore(%run_scoped3A : memref<!tpu.dma_semaphore, #tpu.memory_space<semaphore_mem>>)
      %dma_wait3A = arith.constant 0 : i32
      %dma_wait3A_16 = arith.constant 0 : i32
      %dma_wait3A_17 = tpu.memref_slice %arg3[%add3A, %dma_wait3A, %dma_wait3A_16] : memref<32x79x128xi32, #tpu.memory_space<hbm>> -> memref<1x79x128xi32, #tpu.memory_space<hbm>>
      %dma_wait3A_18 = tpu.memref_squeeze %dma_wait3A_17 : memref<1x79x128xi32, #tpu.memory_space<hbm>> -> memref<79x128xi32, #tpu.memory_space<hbm>>
      %dma_wait3A_19 = arith.constant 0 : i32
      %dma_wait3A_20 = arith.constant 0 : i32
      %dma_wait3A_21 = tpu.memref_slice %arg3[%add3A, %dma_wait3A_19, %dma_wait3A_20] : memref<32x79x128xi32, #tpu.memory_space<hbm>> -> memref<1x79x128xi32, #tpu.memory_space<hbm>>
      %dma_wait3A_22 = tpu.memref_squeeze %dma_wait3A_21 : memref<1x79x128xi32, #tpu.memory_space<hbm>> -> memref<79x128xi32, #tpu.memory_space<hbm>>
      tpu.wait_dma2 semaphore(%run_scoped3A : memref<!tpu.dma_semaphore, #tpu.memory_space<semaphore_mem>>) src(%dma_wait3A_22 : memref<79x128xi32, #tpu.memory_space<hbm>>) dst(%arg9 : memref<79x128xi32, #tpu.memory_space<vmem>>)
      tpu.yield
    }) : () -> ()
    "tpu.region"() ({
      %run_scoped3A = tpu.sem_alloc : memref<!tpu.dma_semaphore, #tpu.memory_space<semaphore_mem>>
      %dma_start3A = arith.constant 0 : i32
      %dma_start3A_9 = arith.constant 0 : i32
      %dma_start3A_10 = tpu.memref_slice %arg4[%add3A, %dma_start3A, %dma_start3A_9] : memref<32x79x128xi32, #tpu.memory_space<hbm>> -> memref<1x79x128xi32, #tpu.memory_space<hbm>>
      %dma_start3A_11 = tpu.memref_squeeze %dma_start3A_10 : memref<1x79x128xi32, #tpu.memory_space<hbm>> -> memref<79x128xi32, #tpu.memory_space<hbm>>
      %dma_start3A_12 = arith.constant 0 : i32
      %dma_start3A_13 = arith.constant 0 : i32
      %dma_start3A_14 = tpu.memref_slice %arg4[%add3A, %dma_start3A_12, %dma_start3A_13] : memref<32x79x128xi32, #tpu.memory_space<hbm>> -> memref<1x79x128xi32, #tpu.memory_space<hbm>>
      %dma_start3A_15 = tpu.memref_squeeze %dma_start3A_14 : memref<1x79x128xi32, #tpu.memory_space<hbm>> -> memref<79x128xi32, #tpu.memory_space<hbm>>
      tpu.enqueue_dma source(%dma_start3A_15 : memref<79x128xi32, #tpu.memory_space<hbm>>) target(%arg10 : memref<79x128xi32, #tpu.memory_space<vmem>>) target_semaphore(%run_scoped3A : memref<!tpu.dma_semaphore, #tpu.memory_space<semaphore_mem>>)
      %dma_wait3A = arith.constant 0 : i32
      %dma_wait3A_16 = arith.constant 0 : i32
      %dma_wait3A_17 = tpu.memref_slice %arg4[%add3A, %dma_wait3A, %dma_wait3A_16] : memref<32x79x128xi32, #tpu.memory_space<hbm>> -> memref<1x79x128xi32, #tpu.memory_space<hbm>>
      %dma_wait3A_18 = tpu.memref_squeeze %dma_wait3A_17 : memref<1x79x128xi32, #tpu.memory_space<hbm>> -> memref<79x128xi32, #tpu.memory_space<hbm>>
      %dma_wait3A_19 = arith.constant 0 : i32
      %dma_wait3A_20 = arith.constant 0 : i32
      %dma_wait3A_21 = tpu.memref_slice %arg4[%add3A, %dma_wait3A_19, %dma_wait3A_20] : memref<32x79x128xi32, #tpu.memory_space<hbm>> -> memref<1x79x128xi32, #tpu.memory_space<hbm>>
      %dma_wait3A_22 = tpu.memref_squeeze %dma_wait3A_21 : memref<1x79x128xi32, #tpu.memory_space<hbm>> -> memref<79x128xi32, #tpu.memory_space<hbm>>
      tpu.wait_dma2 semaphore(%run_scoped3A : memref<!tpu.dma_semaphore, #tpu.memory_space<semaphore_mem>>) src(%dma_wait3A_22 : memref<79x128xi32, #tpu.memory_space<hbm>>) dst(%arg10 : memref<79x128xi32, #tpu.memory_space<vmem>>)
      tpu.yield
    }) : () -> ()
    %barrier3A = arith.constant 0 : index
    tpu.barrier barrier_id(%barrier3A)
    %scan3A = arith.constant 0 : i32
    %scan3A_3 = arith.constant 0 : i32
    %scan3A_4 = arith.constant 79 : i32
    %scan3A_5 = arith.addi %scan3A_3, %scan3A_4 : i32
    %scan3A_6 = arith.constant 1 : i32
    scf.for %scan3A_9 = %scan3A_3 to %scan3A_5 step %scan3A_6  : i32 {
      %dma_start3A = arith.constant 0 : i32
      %dma_start3A_10 = tpu.memref_slice %arg9[%scan3A_9, %dma_start3A] : memref<79x128xi32, #tpu.memory_space<vmem>> -> memref<1x128xi32, #tpu.memory_space<vmem>>
      %dma_start3A_11 = tpu.memref_squeeze %dma_start3A_10 : memref<1x128xi32, #tpu.memory_space<vmem>> -> memref<128xi32, #tpu.memory_space<vmem>>
      %dma_start3A_12 = arith.constant 0 : i32
      %dma_start3A_13 = arith.constant 0 : i32
      %dma_start3A_14 = tpu.memref_slice %arg2[%dma_start3A_12, %dma_start3A_13] : memref<10000x128xf32, #tpu.memory_space<hbm>> -> memref<10000x128xf32, #tpu.memory_space<hbm>>
      tpu.enqueue_indirect_dma source(%dma_start3A_14 : memref<10000x128xf32, #tpu.memory_space<hbm>>) target(%arg11 : memref<128x128xf32, #tpu.memory_space<vmem>>) offsets(%dma_start3A_11 : memref<128xi32, #tpu.memory_space<vmem>>) semaphore(%arg15 : memref<!tpu.dma_semaphore, #tpu.memory_space<semaphore_mem>>)
      %dma_wait3A = arith.constant 0 : i32
      %dma_wait3A_15 = tpu.memref_slice %arg9[%scan3A_9, %dma_wait3A] : memref<79x128xi32, #tpu.memory_space<vmem>> -> memref<1x128xi32, #tpu.memory_space<vmem>>
      %dma_wait3A_16 = tpu.memref_squeeze %dma_wait3A_15 : memref<1x128xi32, #tpu.memory_space<vmem>> -> memref<128xi32, #tpu.memory_space<vmem>>
      %dma_wait3A_17 = arith.constant 0 : i32
      %dma_wait3A_18 = arith.constant 0 : i32
      %dma_wait3A_19 = tpu.memref_slice %arg2[%dma_wait3A_17, %dma_wait3A_18] : memref<10000x128xf32, #tpu.memory_space<hbm>> -> memref<10000x128xf32, #tpu.memory_space<hbm>>
      tpu.wait_indirect_dma semaphore(%arg15 : memref<!tpu.dma_semaphore, #tpu.memory_space<semaphore_mem>>) src(%dma_wait3A_19 : memref<10000x128xf32, #tpu.memory_space<hbm>>) dst(%arg11 : memref<128x128xf32, #tpu.memory_space<vmem>>)
      "tpu.region"() ({
        %run_scoped3A = tpu.sem_alloc : memref<!tpu.dma_semaphore, #tpu.memory_space<semaphore_mem>>
        %dma_start3A_20 = arith.constant 0 : i32
        %dma_start3A_21 = tpu.memref_slice %arg10[%scan3A_9, %dma_start3A_20] : memref<79x128xi32, #tpu.memory_space<vmem>> -> memref<1x128xi32, #tpu.memory_space<vmem>>
        %dma_start3A_22 = tpu.memref_squeeze %dma_start3A_21 : memref<1x128xi32, #tpu.memory_space<vmem>> -> memref<128xi32, #tpu.memory_space<vmem>>
        %dma_start3A_23 = arith.constant 0 : i32
        %dma_start3A_24 = arith.constant 0 : i32
        %dma_start3A_25 = tpu.memref_slice %arg13[%dma_start3A_23, %dma_start3A_24] : memref<10240x128xf32, #tpu.memory_space<vmem_shared>> -> memref<10240x128xf32, #tpu.memory_space<vmem_shared>>
        tpu.enqueue_indirect_dma source(%arg11 : memref<128x128xf32, #tpu.memory_space<vmem>>) target(%dma_start3A_25 : memref<10240x128xf32, #tpu.memory_space<vmem_shared>>) offsets(%dma_start3A_22 : memref<128xi32, #tpu.memory_space<vmem>>) semaphore(%run_scoped3A : memref<!tpu.dma_semaphore, #tpu.memory_space<semaphore_mem>>) {add = true}
        %dma_wait3A_26 = arith.constant 0 : i32
        %dma_wait3A_27 = tpu.memref_slice %arg10[%scan3A_9, %dma_wait3A_26] : memref<79x128xi32, #tpu.memory_space<vmem>> -> memref<1x128xi32, #tpu.memory_space<vmem>>
        %dma_wait3A_28 = tpu.memref_squeeze %dma_wait3A_27 : memref<1x128xi32, #tpu.memory_space<vmem>> -> memref<128xi32, #tpu.memory_space<vmem>>
        %dma_wait3A_29 = arith.constant 0 : i32
        %dma_wait3A_30 = arith.constant 0 : i32
        %dma_wait3A_31 = tpu.memref_slice %arg13[%dma_wait3A_29, %dma_wait3A_30] : memref<10240x128xf32, #tpu.memory_space<vmem_shared>> -> memref<10240x128xf32, #tpu.memory_space<vmem_shared>>
        tpu.wait_indirect_dma semaphore(%run_scoped3A : memref<!tpu.dma_semaphore, #tpu.memory_space<semaphore_mem>>) src(%arg11 : memref<128x128xf32, #tpu.memory_space<vmem>>) dst(%dma_wait3A_31 : memref<10240x128xf32, #tpu.memory_space<vmem_shared>>)
        tpu.yield
      }) : () -> ()
    }
    %scan3A_7 = arith.constant 79 : i32
    %barrier3A_8 = arith.constant 0 : index
    tpu.barrier barrier_id(%barrier3A_8)
    "tpu.region"() ({
      %run_scoped3A = tpu.sem_alloc : memref<!tpu.dma_semaphore, #tpu.memory_space<semaphore_mem>>
      %dma_start3A = arith.constant 0 : i32
      %dma_start3A_9 = tpu.memref_slice %arg7[%arg0, %mul3A_2, %dma_start3A] : memref<2x10240x128xf32, #tpu.memory_space<hbm>> -> memref<1x640x128xf32, #tpu.memory_space<hbm>>
      %dma_start3A_10 = tpu.memref_squeeze %dma_start3A_9 : memref<1x640x128xf32, #tpu.memory_space<hbm>> -> memref<640x128xf32, #tpu.memory_space<hbm>>
      %dma_start3A_11 = arith.constant 0 : i32
      %dma_start3A_12 = tpu.memref_slice %arg13[%mul3A_2, %dma_start3A_11] : memref<10240x128xf32, #tpu.memory_space<vmem_shared>> -> memref<640x128xf32, #tpu.memory_space<vmem_shared>>
      tpu.enqueue_dma source(%dma_start3A_12 : memref<640x128xf32, #tpu.memory_space<vmem_shared>>) target(%dma_start3A_10 : memref<640x128xf32, #tpu.memory_space<hbm>>) target_semaphore(%run_scoped3A : memref<!tpu.dma_semaphore, #tpu.memory_space<semaphore_mem>>)
      %dma_wait3A = arith.constant 0 : i32
      %dma_wait3A_13 = tpu.memref_slice %arg7[%arg0, %mul3A_2, %dma_wait3A] : memref<2x10240x128xf32, #tpu.memory_space<hbm>> -> memref<1x640x128xf32, #tpu.memory_space<hbm>>
      %dma_wait3A_14 = tpu.memref_squeeze %dma_wait3A_13 : memref<1x640x128xf32, #tpu.memory_space<hbm>> -> memref<640x128xf32, #tpu.memory_space<hbm>>
      %dma_wait3A_15 = arith.constant 0 : i32
      %dma_wait3A_16 = tpu.memref_slice %arg13[%mul3A_2, %dma_wait3A_15] : memref<10240x128xf32, #tpu.memory_space<vmem_shared>> -> memref<640x128xf32, #tpu.memory_space<vmem_shared>>
      tpu.wait_dma2 semaphore(%run_scoped3A : memref<!tpu.dma_semaphore, #tpu.memory_space<semaphore_mem>>) src(%dma_wait3A_16 : memref<640x128xf32, #tpu.memory_space<vmem_shared>>) dst(%dma_wait3A_14 : memref<640x128xf32, #tpu.memory_space<hbm>>)
      tpu.yield
    }) : () -> ()
    return
  }
}

module attributes {stable_mosaic.version = 14 : i64} {
  func.func @_dense1_body(%arg0: i32, %arg1: memref<2x1000x128xf32, #tpu.memory_space<vmem>>, %arg2: memref<2x1000x1xf32, #tpu.memory_space<vmem>>, %arg3: memref<1000x128xf32, #tpu.memory_space<vmem>>, %arg4: memref<128x128xf32, #tpu.memory_space<vmem>>, %arg5: memref<1x128xf32, #tpu.memory_space<vmem>>, %arg6: memref<128x128xf32, #tpu.memory_space<vmem>>, %arg7: memref<1x128xf32, #tpu.memory_space<vmem>>, %arg8: memref<1x128xf32, #tpu.memory_space<vmem>>, %arg9: memref<1000x128xf32, #tpu.memory_space<vmem>>) attributes {dimension_semantics = [#tpu.dimension_semantics<arbitrary>], iteration_bounds = array<i64: 10>, scalar_prefetch = 0 : i64, scratch_operands = 0 : i64, tpu.core_type = #tpu.core_type<tc>, window_params = [{transform_indices = @transform_0, window_bounds = array<i64: 2, 1000, 128>}, {transform_indices = @transform_1, window_bounds = array<i64: 2, 1000, 1>}, {transform_indices = @transform_2, window_bounds = array<i64: 1000, 128>}, {pipeline_mode = #tpu.pipeline_mode<synchronous>, transform_indices = @transform_3, window_bounds = array<i64: 128, 128>}, {pipeline_mode = #tpu.pipeline_mode<synchronous>, transform_indices = @transform_4, window_bounds = array<i64: 1, 128>}, {pipeline_mode = #tpu.pipeline_mode<synchronous>, transform_indices = @transform_5, window_bounds = array<i64: 128, 128>}, {pipeline_mode = #tpu.pipeline_mode<synchronous>, transform_indices = @transform_6, window_bounds = array<i64: 1, 128>}, {pipeline_mode = #tpu.pipeline_mode<synchronous>, transform_indices = @transform_7, window_bounds = array<i64: 1, 128>}, {transform_indices = @transform_8, window_bounds = array<i64: 1000, 128>}]} {
    %get3A = arith.constant 0 : index
    %get3A_0 = arith.constant 0 : index
    %get3A_1 = arith.constant 0 : index
    %get3A_2 = vector.load %arg1[%get3A, %get3A_0, %get3A_1] : memref<2x1000x128xf32, #tpu.memory_space<vmem>>, vector<1x1000x128xf32>
    %get3A_3 = vector.shape_cast %get3A_2 : vector<1x1000x128xf32> to vector<1000x128xf32>
    %get3A_4 = arith.constant 1 : index
    %get3A_5 = arith.constant 0 : index
    %get3A_6 = arith.constant 0 : index
    %get3A_7 = vector.load %arg1[%get3A_4, %get3A_5, %get3A_6] : memref<2x1000x128xf32, #tpu.memory_space<vmem>>, vector<1x1000x128xf32>
    %get3A_8 = vector.shape_cast %get3A_7 : vector<1x1000x128xf32> to vector<1000x128xf32>
    %add3A = arith.addf %get3A_3, %get3A_8 : vector<1000x128xf32>
    %get3A_9 = arith.constant 0 : index
    %get3A_10 = arith.constant 0 : index
    %get3A_11 = arith.constant 0 : index
    %get3A_12 = vector.load %arg2[%get3A_9, %get3A_10, %get3A_11] : memref<2x1000x1xf32, #tpu.memory_space<vmem>>, vector<1x1000x1xf32>
    %get3A_13 = vector.shape_cast %get3A_12 : vector<1x1000x1xf32> to vector<1000x1xf32>
    %get3A_14 = arith.constant 1 : index
    %get3A_15 = arith.constant 0 : index
    %get3A_16 = arith.constant 0 : index
    %get3A_17 = vector.load %arg2[%get3A_14, %get3A_15, %get3A_16] : memref<2x1000x1xf32, #tpu.memory_space<vmem>>, vector<1x1000x1xf32>
    %get3A_18 = vector.shape_cast %get3A_17 : vector<1x1000x1xf32> to vector<1000x1xf32>
    %add3A_19 = arith.addf %get3A_13, %get3A_18 : vector<1000x1xf32>
    %max3A = arith.constant 1.000000e+00 : f32
    %max3A_20 = vector.broadcast %max3A : f32 to vector<1000x1xf32>
    %max3A_21 = arith.maximumf %add3A_19, %max3A_20 : vector<1000x1xf32>
    %div3A = vector.broadcast %max3A_21 : vector<1000x1xf32> to vector<1000x128xf32>
    %div3A_22 = arith.divf %add3A, %div3A : vector<1000x128xf32>
    %get3A_23 = arith.constant 0 : index
    %get3A_24 = arith.constant 0 : index
    %get3A_25 = vector.load %arg4[%get3A_23, %get3A_24] : memref<128x128xf32, #tpu.memory_space<vmem>>, vector<128x128xf32>
    %dot_general3A = arith.constant dense<0.000000e+00> : vector<1000x128xf32>
    %dot_general3A_26 = tpu.matmul %div3A_22, %get3A_25, %dot_general3A {dimension_numbers = #tpu.dot_dimension_numbers<[1], [0], [0], [1], [0, 0, 1, 1], [], []>, transpose_lhs_hint = false} : vector<1000x128xf32>, vector<128x128xf32>, vector<1000x128xf32> -> vector<1000x128xf32>
    %get3A_27 = arith.constant 0 : index
    %get3A_28 = arith.constant 0 : index
    %get3A_29 = vector.load %arg5[%get3A_27, %get3A_28] : memref<1x128xf32, #tpu.memory_space<vmem>>, vector<1x128xf32>
    %add3A_30 = vector.broadcast %get3A_29 : vector<1x128xf32> to vector<1000x128xf32>
    %add3A_31 = arith.addf %dot_general3A_26, %add3A_30 : vector<1000x128xf32>
    %get3A_32 = arith.constant 0 : index
    %get3A_33 = arith.constant 0 : index
    %get3A_34 = vector.load %arg3[%get3A_32, %get3A_33] : memref<1000x128xf32, #tpu.memory_space<vmem>>, vector<1000x128xf32>
    %get3A_35 = arith.constant 0 : index
    %get3A_36 = arith.constant 0 : index
    %get3A_37 = vector.load %arg6[%get3A_35, %get3A_36] : memref<128x128xf32, #tpu.memory_space<vmem>>, vector<128x128xf32>
    %dot_general3A_38 = arith.constant dense<0.000000e+00> : vector<1000x128xf32>
    %dot_general3A_39 = tpu.matmul %get3A_34, %get3A_37, %dot_general3A_38 {dimension_numbers = #tpu.dot_dimension_numbers<[1], [0], [0], [1], [0, 0, 1, 1], [], []>, transpose_lhs_hint = false} : vector<1000x128xf32>, vector<128x128xf32>, vector<1000x128xf32> -> vector<1000x128xf32>
    %add3A_40 = arith.addf %add3A_31, %dot_general3A_39 : vector<1000x128xf32>
    %get3A_41 = arith.constant 0 : index
    %get3A_42 = arith.constant 0 : index
    %get3A_43 = vector.load %arg7[%get3A_41, %get3A_42] : memref<1x128xf32, #tpu.memory_space<vmem>>, vector<1x128xf32>
    %div3A_44 = arith.constant 1.00000501 : f32
    %div3A_45 = vector.broadcast %div3A_44 : f32 to vector<1x128xf32>
    %div3A_46 = arith.divf %get3A_43, %div3A_45 : vector<1x128xf32>
    %mul3A = vector.broadcast %div3A_46 : vector<1x128xf32> to vector<1000x128xf32>
    %mul3A_47 = arith.mulf %add3A_40, %mul3A : vector<1000x128xf32>
    %get3A_48 = arith.constant 0 : index
    %get3A_49 = arith.constant 0 : index
    %get3A_50 = vector.load %arg8[%get3A_48, %get3A_49] : memref<1x128xf32, #tpu.memory_space<vmem>>, vector<1x128xf32>
    %add3A_51 = vector.broadcast %get3A_50 : vector<1x128xf32> to vector<1000x128xf32>
    %add3A_52 = arith.addf %mul3A_47, %add3A_51 : vector<1000x128xf32>
    %max3A_53 = arith.constant 0.000000e+00 : f32
    %max3A_54 = vector.broadcast %max3A_53 : f32 to vector<1000x128xf32>
    %max3A_55 = arith.maximumf %add3A_52, %max3A_54 : vector<1000x128xf32>
    %swap3A = arith.constant 0 : index
    %swap3A_56 = arith.constant 0 : index
    %swap3A_57 = vector.load %arg9[%swap3A, %swap3A_56] : memref<1000x128xf32, #tpu.memory_space<vmem>>, vector<1000x128xf32>
    tpu.vector_store %arg9[%swap3A, %swap3A_56], %max3A_55 {strides = array<i32>} : memref<1000x128xf32, #tpu.memory_space<vmem>>, vector<1000x128xf32>,
    return
  }
  func.func @transform_0(%arg0: i32) -> (i32, i32, i32) {
    %c0_i32 = arith.constant 0 : i32
    %c0_i32_0 = arith.constant 0 : i32
    %c0_i32_1 = arith.constant 0 : i32
    return %c0_i32, %arg0, %c0_i32_0 : i32, i32, i32
  }
  func.func @transform_1(%arg0: i32) -> (i32, i32, i32) {
    %c0_i32 = arith.constant 0 : i32
    %c0_i32_0 = arith.constant 0 : i32
    %c0_i32_1 = arith.constant 0 : i32
    return %c0_i32, %arg0, %c0_i32_0 : i32, i32, i32
  }
  func.func @transform_2(%arg0: i32) -> (i32, i32) {
    %c0_i32 = arith.constant 0 : i32
    %c0_i32_0 = arith.constant 0 : i32
    return %arg0, %c0_i32 : i32, i32
  }
  func.func @transform_3(%arg0: i32) -> (i32, i32) {
    %c0_i32 = arith.constant 0 : i32
    %c0_i32_0 = arith.constant 0 : i32
    %c0_i32_1 = arith.constant 0 : i32
    return %c0_i32, %c0_i32_0 : i32, i32
  }
  func.func @transform_4(%arg0: i32) -> (i32, i32) {
    %c0_i32 = arith.constant 0 : i32
    %c0_i32_0 = arith.constant 0 : i32
    %c0_i32_1 = arith.constant 0 : i32
    return %c0_i32, %c0_i32_0 : i32, i32
  }
  func.func @transform_5(%arg0: i32) -> (i32, i32) {
    %c0_i32 = arith.constant 0 : i32
    %c0_i32_0 = arith.constant 0 : i32
    %c0_i32_1 = arith.constant 0 : i32
    return %c0_i32, %c0_i32_0 : i32, i32
  }
  func.func @transform_6(%arg0: i32) -> (i32, i32) {
    %c0_i32 = arith.constant 0 : i32
    %c0_i32_0 = arith.constant 0 : i32
    %c0_i32_1 = arith.constant 0 : i32
    return %c0_i32, %c0_i32_0 : i32, i32
  }
  func.func @transform_7(%arg0: i32) -> (i32, i32) {
    %c0_i32 = arith.constant 0 : i32
    %c0_i32_0 = arith.constant 0 : i32
    %c0_i32_1 = arith.constant 0 : i32
    return %c0_i32, %c0_i32_0 : i32, i32
  }
  func.func @transform_8(%arg0: i32) -> (i32, i32) {
    %c0_i32 = arith.constant 0 : i32
    %c0_i32_0 = arith.constant 0 : i32
    return %arg0, %c0_i32 : i32, i32
  }
}

module attributes {stable_mosaic.version = 14 : i64} {
  func.func @_dense2_body(%arg0: i32, %arg1: memref<2x1000x128xf32, #tpu.memory_space<vmem>>, %arg2: memref<2x1000x1xf32, #tpu.memory_space<vmem>>, %arg3: memref<1000x128xf32, #tpu.memory_space<vmem>>, %arg4: memref<128x128xf32, #tpu.memory_space<vmem>>, %arg5: memref<1x128xf32, #tpu.memory_space<vmem>>, %arg6: memref<128x128xf32, #tpu.memory_space<vmem>>, %arg7: memref<1000x128xf32, #tpu.memory_space<vmem>>) attributes {dimension_semantics = [#tpu.dimension_semantics<arbitrary>], iteration_bounds = array<i64: 10>, scalar_prefetch = 0 : i64, scratch_operands = 0 : i64, tpu.core_type = #tpu.core_type<tc>, window_params = [{transform_indices = @transform_0, window_bounds = array<i64: 2, 1000, 128>}, {transform_indices = @transform_1, window_bounds = array<i64: 2, 1000, 1>}, {transform_indices = @transform_2, window_bounds = array<i64: 1000, 128>}, {pipeline_mode = #tpu.pipeline_mode<synchronous>, transform_indices = @transform_3, window_bounds = array<i64: 128, 128>}, {pipeline_mode = #tpu.pipeline_mode<synchronous>, transform_indices = @transform_4, window_bounds = array<i64: 1, 128>}, {pipeline_mode = #tpu.pipeline_mode<synchronous>, transform_indices = @transform_5, window_bounds = array<i64: 128, 128>}, {transform_indices = @transform_6, window_bounds = array<i64: 1000, 128>}]} {
    %get3A = arith.constant 0 : index
    %get3A_0 = arith.constant 0 : index
    %get3A_1 = arith.constant 0 : index
    %get3A_2 = vector.load %arg1[%get3A, %get3A_0, %get3A_1] : memref<2x1000x128xf32, #tpu.memory_space<vmem>>, vector<1x1000x128xf32>
    %get3A_3 = vector.shape_cast %get3A_2 : vector<1x1000x128xf32> to vector<1000x128xf32>
    %get3A_4 = arith.constant 1 : index
    %get3A_5 = arith.constant 0 : index
    %get3A_6 = arith.constant 0 : index
    %get3A_7 = vector.load %arg1[%get3A_4, %get3A_5, %get3A_6] : memref<2x1000x128xf32, #tpu.memory_space<vmem>>, vector<1x1000x128xf32>
    %get3A_8 = vector.shape_cast %get3A_7 : vector<1x1000x128xf32> to vector<1000x128xf32>
    %add3A = arith.addf %get3A_3, %get3A_8 : vector<1000x128xf32>
    %get3A_9 = arith.constant 0 : index
    %get3A_10 = arith.constant 0 : index
    %get3A_11 = arith.constant 0 : index
    %get3A_12 = vector.load %arg2[%get3A_9, %get3A_10, %get3A_11] : memref<2x1000x1xf32, #tpu.memory_space<vmem>>, vector<1x1000x1xf32>
    %get3A_13 = vector.shape_cast %get3A_12 : vector<1x1000x1xf32> to vector<1000x1xf32>
    %get3A_14 = arith.constant 1 : index
    %get3A_15 = arith.constant 0 : index
    %get3A_16 = arith.constant 0 : index
    %get3A_17 = vector.load %arg2[%get3A_14, %get3A_15, %get3A_16] : memref<2x1000x1xf32, #tpu.memory_space<vmem>>, vector<1x1000x1xf32>
    %get3A_18 = vector.shape_cast %get3A_17 : vector<1x1000x1xf32> to vector<1000x1xf32>
    %add3A_19 = arith.addf %get3A_13, %get3A_18 : vector<1000x1xf32>
    %max3A = arith.constant 1.000000e+00 : f32
    %max3A_20 = vector.broadcast %max3A : f32 to vector<1000x1xf32>
    %max3A_21 = arith.maximumf %add3A_19, %max3A_20 : vector<1000x1xf32>
    %div3A = vector.broadcast %max3A_21 : vector<1000x1xf32> to vector<1000x128xf32>
    %div3A_22 = arith.divf %add3A, %div3A : vector<1000x128xf32>
    %get3A_23 = arith.constant 0 : index
    %get3A_24 = arith.constant 0 : index
    %get3A_25 = vector.load %arg4[%get3A_23, %get3A_24] : memref<128x128xf32, #tpu.memory_space<vmem>>, vector<128x128xf32>
    %dot_general3A = arith.constant dense<0.000000e+00> : vector<1000x128xf32>
    %dot_general3A_26 = tpu.matmul %div3A_22, %get3A_25, %dot_general3A {dimension_numbers = #tpu.dot_dimension_numbers<[1], [0], [0], [1], [0, 0, 1, 1], [], []>, transpose_lhs_hint = false} : vector<1000x128xf32>, vector<128x128xf32>, vector<1000x128xf32> -> vector<1000x128xf32>
    %get3A_27 = arith.constant 0 : index
    %get3A_28 = arith.constant 0 : index
    %get3A_29 = vector.load %arg5[%get3A_27, %get3A_28] : memref<1x128xf32, #tpu.memory_space<vmem>>, vector<1x128xf32>
    %add3A_30 = vector.broadcast %get3A_29 : vector<1x128xf32> to vector<1000x128xf32>
    %add3A_31 = arith.addf %dot_general3A_26, %add3A_30 : vector<1000x128xf32>
    %get3A_32 = arith.constant 0 : index
    %get3A_33 = arith.constant 0 : index
    %get3A_34 = vector.load %arg3[%get3A_32, %get3A_33] : memref<1000x128xf32, #tpu.memory_space<vmem>>, vector<1000x128xf32>
    %get3A_35 = arith.constant 0 : index
    %get3A_36 = arith.constant 0 : index
    %get3A_37 = vector.load %arg6[%get3A_35, %get3A_36] : memref<128x128xf32, #tpu.memory_space<vmem>>, vector<128x128xf32>
    %dot_general3A_38 = arith.constant dense<0.000000e+00> : vector<1000x128xf32>
    %dot_general3A_39 = tpu.matmul %get3A_34, %get3A_37, %dot_general3A_38 {dimension_numbers = #tpu.dot_dimension_numbers<[1], [0], [0], [1], [0, 0, 1, 1], [], []>, transpose_lhs_hint = false} : vector<1000x128xf32>, vector<128x128xf32>, vector<1000x128xf32> -> vector<1000x128xf32>
    %add3A_40 = arith.addf %add3A_31, %dot_general3A_39 : vector<1000x128xf32>
    %mul3A = arith.mulf %add3A_40, %add3A_40 : vector<1000x128xf32>
    %reduce_sum3A = arith.constant dense<0.000000e+00> : vector<1000xf32>
    %reduce_sum3A_41 = vector.multi_reduction <add>, %mul3A, %reduce_sum3A [1] : vector<1000x128xf32> to vector<1000xf32>
    %broadcast_in_dim3A = vector.shape_cast %reduce_sum3A_41 : vector<1000xf32> to vector<1000x1xf32>
    %sqrt3A = math.sqrt %broadcast_in_dim3A : vector<1000x1xf32>
    %max3A_42 = arith.constant 9.99999996E-13 : f32
    %max3A_43 = vector.broadcast %max3A_42 : f32 to vector<1000x1xf32>
    %max3A_44 = arith.maximumf %sqrt3A, %max3A_43 : vector<1000x1xf32>
    %div3A_45 = vector.broadcast %max3A_44 : vector<1000x1xf32> to vector<1000x128xf32>
    %div3A_46 = arith.divf %add3A_40, %div3A_45 : vector<1000x128xf32>
    %swap3A = arith.constant 0 : index
    %swap3A_47 = arith.constant 0 : index
    %swap3A_48 = vector.load %arg7[%swap3A, %swap3A_47] : memref<1000x128xf32, #tpu.memory_space<vmem>>, vector<1000x128xf32>
    tpu.vector_store %arg7[%swap3A, %swap3A_47], %div3A_46 {strides = array<i32>} : memref<1000x128xf32, #tpu.memory_space<vmem>>, vector<1000x128xf32>,
    return
  }
  func.func @transform_0(%arg0: i32) -> (i32, i32, i32) {
    %c0_i32 = arith.constant 0 : i32
    %c0_i32_0 = arith.constant 0 : i32
    %c0_i32_1 = arith.constant 0 : i32
    return %c0_i32, %arg0, %c0_i32_0 : i32, i32, i32
  }
  func.func @transform_1(%arg0: i32) -> (i32, i32, i32) {
    %c0_i32 = arith.constant 0 : i32
    %c0_i32_0 = arith.constant 0 : i32
    %c0_i32_1 = arith.constant 0 : i32
    return %c0_i32, %arg0, %c0_i32_0 : i32, i32, i32
  }
  func.func @transform_2(%arg0: i32) -> (i32, i32) {
    %c0_i32 = arith.constant 0 : i32
    %c0_i32_0 = arith.constant 0 : i32
    return %arg0, %c0_i32 : i32, i32
  }
  func.func @transform_3(%arg0: i32) -> (i32, i32) {
    %c0_i32 = arith.constant 0 : i32
    %c0_i32_0 = arith.constant 0 : i32
    %c0_i32_1 = arith.constant 0 : i32
    return %c0_i32, %c0_i32_0 : i32, i32
  }
  func.func @transform_4(%arg0: i32) -> (i32, i32) {
    %c0_i32 = arith.constant 0 : i32
    %c0_i32_0 = arith.constant 0 : i32
    %c0_i32_1 = arith.constant 0 : i32
    return %c0_i32, %c0_i32_0 : i32, i32
  }
  func.func @transform_5(%arg0: i32) -> (i32, i32) {
    %c0_i32 = arith.constant 0 : i32
    %c0_i32_0 = arith.constant 0 : i32
    %c0_i32_1 = arith.constant 0 : i32
    return %c0_i32, %c0_i32_0 : i32, i32
  }
  func.func @transform_6(%arg0: i32) -> (i32, i32) {
    %c0_i32 = arith.constant 0 : i32
    %c0_i32_0 = arith.constant 0 : i32
    return %arg0, %c0_i32 : i32, i32
  }
}

</mosaic_0001>

<sc_bundles>
// kernel: kernel.6.cloned.1.call-start
scs
__scs_entry_jumppad:
0x0: {  	(pc) =	sbr.rel $0x88, $3  }
0x1: {  	(tag) =	ssettag $0x0;
	lr =	simm.s32 $0x1  }
0x2: {  	[smem:$0x3F97] =	sst lr;
	_ =	strace $0xD0000000  }
0x3: {  	_ = 	snop  }
0x4: {  	_ = 	snop  }
0x5: {  	_ = 	snop  }
0x6: {  	_ = 	snop  }
0x7: {  	_ = 	snop  }
__scs_overlays_trampoline_lowered:
0x8: {  	[smem:$0x3FA6] =	sst s0  }
0x9: {  	[smem:$0x3FA7] =	sst s1  }
0xa: {  	[smem:$0x3FA8] =	sst s2  }
0xb: {  	[smem:$0x3FA9] =	sst s3  }
0xc: {  	[smem:$0x3FAA] =	sst s4  }
0xd: {  	[smem:$0x3FAB] =	sst s5  }
0xe: {  	[smem:$0x3FAC] =	sst s6  }
0xf: {  	[smem:$0x3FAD] =	sst s7  }
0x10: {  	[smem:$0x3FAE] =	sst s8  }
0x11: {  	[smem:$0x3FAF] =	sst s9;
	s0 =	simm.s32 @!p0 $0x0  }
0x12: {  	s1 =	sld [smem:$0x3F95];
	s0 =	simm.s32 @p0 $0x1  }
0x13: {  	[smem:$0x3FB0] =	sst s0;
	s0 =	simm.s32 @!p1 $0x0  }
0x14: {  	s2 =	sld [smem:$0x3F94];
	s0 =	simm.s32 @p1 $0x1  }
0x15: {  	[smem:$0x3FB1] =	sst s0;
	s0 =	simm.s32 @!p2 $0x0  }
0x16: {  	s3 =	sld [smem:$0x3FDB];
	s0 =	simm.s32 @p2 $0x1  }
0x17: {  	s4 =	simm.s32 $0x1BF5;
	[smem:$0x3FB3] =	sst s0  }
0x18: {  	s0 =	sld [smem:$0x3F96];
	_ =	swait.ge [sflag:s4], $0x0  }
0x19: {  	s7 =	sld [smem:$0x3F97]  }
0x1a: {  	s8 =	sadd.s32 $0xFFFFE003, lr  }
0x1b: {  	s9 =	sadd.s32 $0xFFFFFEF7, lr;
	s5 =	simm.s32 $0xFFFFFFFF;
	p2 =	slt.u32 s8, $0xFFFFF086  }
0x1c: {  	p1 =	slt.u32 s9, $0xF7A;
	s5 =	simm.s32 @!p2 $0x0  }
0x1d: {  	s5 =	simm.s32 @p1 $0x1;
	p0 =	seq.s32 s7, s2  }
0x1e: {  	s7 =	smul.u32 @!p0 $0xF7A, s2;
	p2 =	seq.s32 @!p0 s5, $0x0  }
0x1f: {  	s9 =	smul.u32 $0xF7A, s1;
	s8 =	simm.s32 @!p0 $0x1BF5;
	p2 =	por !p2, p0  }
0x20: {  	[sflag:s8] =	ssyncset.s32 @!p0 $0xFFFFF086;
	s6 =	sadd.s32 @!p0 s3, s7;
	s7 =	simm.s32 @!p0 $0x108  }
0x21: {  	s3 =	sadd.s32 s3, s9;
	s6 =	sadd.s32 @!p0 $0x88, s6;
	s7 =	simm.s32 @p2 $0x1082  }
0x22: {  	[simem:s7], [sflag:s8] =	dma.local @!p0 [hbm:s6], $0xF7A  }
0x23: {  	s9 =	sor.u32 $0xD0000000, s2;
	s6 =	simm.s32 $0x108;
	_ =	swait.ge @!p0 [sflag:s8], $0x0  }
0x24: {  	s3 =	sadd.s32 $0x88, s3;
	s6 =	simm.s32 @!p1 $0x1082;
	[sflag:s4] =	ssyncset.s32 $0xFFFFF086  }
0x25: {  	[simem:s6], [sflag:s4] =	dma.local [hbm:s3], $0xF7A  }
0x26: {  	[smem:$0x3F97] =	sst s1;
	(tag) =	ssettag s2;
	_ =	strace s9  }
0x27: {  	s1 =	sld [smem:$0x3FA7]  }
0x28: {  	s2 =	sld [smem:$0x3FA8]  }
0x29: {  	s4 =	sld [smem:$0x3FAA]  }
0x2a: {  	p0 =	seq.s32 s5, $0x0;
	s5 =	sld [smem:$0x3FAB]  }
0x2b: {  	s6 =	sld [smem:$0x3FAC]  }
0x2c: {  	s7 =	sld [smem:$0x3FAD]  }
0x2d: {  	s3 =	simm.s32 $0x108;
	s8 =	sld [smem:$0x3FAE]  }
0x2e: {  	s3 =	simm.s32 @!p0 $0x1082;
	s9 =	sld [smem:$0x3FAF]  }
0x2f: {  	lr =	sadd.s32 s0, s3;
	s0 =	sld [smem:$0x3FA6]  }
0x30: {  	s3 =	sld [smem:$0x3FA9]  }
0x31: {  	[smem:$0x3FB2] =	sst s10  }
0x32: {  	s10 =	sld [smem:$0x3FB0];
	_ =	sdelay $0x3  }
0x33: {  	p0 =	seq.s32 s10, $0x1;
	s10 =	sld [smem:$0x3FB2];
	_ =	sdelay $0x3  }
0x34: {  	[smem:$0x3FB2] =	sst s10  }
0x35: {  	s10 =	sld [smem:$0x3FB1];
	_ =	sdelay $0x3  }
0x36: {  	p1 =	seq.s32 s10, $0x1;
	s10 =	sld [smem:$0x3FB2];
	_ =	sdelay $0x3  }
0x37: {  	[smem:$0x3FB2] =	sst s10  }
0x38: {  	s10 =	sld [smem:$0x3FB3]  }
0x39: {  	_ = 	snop;
	(pc) =	sbr.ind lr, $3  }
0x3a: {  	_ = 	snop  }
0x3b: {  	_ = 	snop  }
0x3c: {  	p2 =	seq.s32 s10, $0x1;
	s10 =	sld [smem:$0x3FB2]  }
0x3d: {  	_ =	shalt  }
0x3e: {  	_ =	shalt  }
0x3f: {  	_ =	shalt  }
0x40: {  	_ =	shalt  }
0x41: {  	_ =	shalt  }
0x42: {  	_ =	shalt  }
0x43: {  	_ =	shalt  }
0x44: {  	_ =	shalt  }
0x45: {  	_ =	shalt  }
0x46: {  	_ =	shalt  }
0x47: {  	_ =	shalt  }
0x48: {  	_ =	shalt  }
0x49: {  	_ =	shalt  }
0x4a: {  	_ =	shalt  }
0x4b: {  	_ =	shalt  }
0x4c: {  	_ =	shalt  }
0x4d: {  	_ =	shalt  }
0x4e: {  	_ =	shalt  }
0x4f: {  	_ =	shalt  }
0x50: {  	_ =	shalt  }
0x51: {  	_ =	shalt  }
0x52: {  	_ =	shalt  }
0x53: {  	_ =	shalt  }
0x54: {  	_ =	shalt  }
0x55: {  	_ =	shalt  }
0x56: {  	_ =	shalt  }
0x57: {  	_ =	shalt  }
0x58: {  	_ =	shalt  }
0x59: {  	_ =	shalt  }
0x5a: {  	_ =	shalt  }
0x5b: {  	_ =	shalt  }
0x5c: {  	_ =	shalt  }
0x5d: {  	_ =	shalt  }
0x5e: {  	_ =	shalt  }
0x5f: {  	_ =	shalt  }
0x60: {  	_ =	shalt  }
0x61: {  	_ =	shalt  }
0x62: {  	_ =	shalt  }
0x63: {  	_ =	shalt  }
0x64: {  	_ =	shalt  }
0x65: {  	_ =	shalt  }
0x66: {  	_ =	shalt  }
0x67: {  	_ =	shalt  }
0x68: {  	_ =	shalt  }
0x69: {  	_ =	shalt  }
0x6a: {  	_ =	shalt  }
0x6b: {  	_ =	shalt  }
0x6c: {  	_ =	shalt  }
0x6d: {  	_ =	shalt  }
0x6e: {  	_ =	shalt  }
0x6f: {  	_ =	shalt  }
0x70: {  	_ =	shalt  }
0x71: {  	_ =	shalt  }
0x72: {  	_ =	shalt  }
0x73: {  	_ =	shalt  }
0x74: {  	_ =	shalt  }
0x75: {  	_ =	shalt  }
0x76: {  	_ =	shalt  }
0x77: {  	_ =	shalt  }
0x78: {  	_ =	shalt  }
0x79: {  	_ =	shalt  }
0x7a: {  	_ =	shalt  }
0x7b: {  	_ =	shalt  }
0x7c: {  	_ =	shalt  }
0x7d: {  	_ =	shalt  }
0x7e: {  	_ =	shalt  }
0x7f: {  	_ =	shalt  }
0x80: {  	_ =	shalt  }
0x81: {  	_ =	shalt  }
0x82: {  	_ =	shalt  }
0x83: {  	_ =	shalt  }
0x84: {  	_ =	shalt  }
0x85: {  	_ =	shalt  }
0x86: {  	_ =	shalt  }
0x87: {  	_ =	shalt  }
.Lfunc_end0:
.L_simem_size_0:
called_computation_lowered:
.L_overlay_start_0:
0x88: {  	s2 =	sld [smem:$0x3FD9]  }
0x89: {  	s3 =	sld [smem:$0x3FFE];
	_ =	sdelay $0x1  }
0x8a: {  	s1 =	srdreg.scid  }
0x8b: {  	s0 =	sand.u32 $0x1, s1  }
0x8c: {  	s17 =	sshll.u32 s0, $0xA;
	s2 =	sadd.s32 s3, s2  }
0x8d: {  	s2 =	sadd.s32 s2, s17  }
0x8e: {  	[smem:$0x3FBE] =	sst s2  }
0x8f: {  	_ = 	snop  }
0x90: {  	s2 =	sld [smem:$0x3FC9]  }
0x91: {  	s18 =	sld [smem:$0x3FD0];
	(tm) =	ssettm $0x1  }
0x92: {  	s4 =	sld [smem:$0x3FFB];
	_ =	sdelay $0x3  }
0x93: {  	_ =	strace s4  }
0x94: {  	s4 =	sld [smem:$0x3FFC];
	_ =	sdelay $0x3  }
0x95: {  	_ =	strace s4  }
0x96: {  	s4 =	sld [smem:$0x3FFD];
	_ =	sdelay $0x3  }
0x97: {  	_ =	strace s4  }
0x98: {  	_ =	strace $0x8FFFFFFF  }
0x99: {  	s19 =	sld [smem:$0x3FDB];
	_ =	sdelay $0x1  }
0x9a: {  	s5 =	simm.s32 $_scs_section_size  }
0x9b: {  	s6 =	simm.s32 $_size__tile_overlayer_lowered;
	s7 =	simm.s32 $_tile_overlayer_lowered  }
0x9c: {  	s22 =	simm.s32 $0x1BFF;
	s21 =	sshll.u32 s7, $0x1;
	s4 =	sadd.s32 s5, s19  }
0x9d: {  	s8 =	simm.s32 $0x0;
	s20 =	sshll.u32 s6, $0x1;
	s6 =	sadd.s32 s21, s4  }
0x9e: {  	[timem:s8], [sflag:s22] =	dma.local [hbm:s6], s20  }
0x9f: {  	_ =	swait.ge [sflag:s22], s20  }
0xa0: {  	s5 =	ssub.s32 $0x0, s20;
	[sflag:s22] =	ssyncset.done $0x0  }
0xa1: {  	[sflag:s22] =	ssyncadd.s32 s5;
	_ =	sdelay $0x1  }
0xa2: {  	s23 =	simm.s32 $0x1B8B  }
0xa3: {  	_ =	swait.ge [sflag:s23], $0x1  }
0xa4: {  	[sflag:s23] =	ssyncset.done $0x0  }
0xa5: {  	s25 =	simm.s32 $0x1B8E;
	s24 =	sld [smem:$0x3FFE];
	[sflag:s23] =	ssyncadd.s32 $0xFFFFFFFF  }
0xa6: {  	s26 =	simm.s32 $execute0_lowered;
	[smem:$0x3FD2] =	sst s25  }
0xa7: {  	s6 =	sshll.u32 s26, $0x1;
	_ =	strace $0x80000046;
	[dreg:$0x1] =	wrdreg $0xFFFFFFFF  }
0xa8: {  	s28 =	simm.s32 $_size_execute0_lowered;
	s4 =	sadd.s32 s4, s6;
	[dreg:$0x0] =	wrdreg $0x0  }
0xa9: {  	s6 =	sshll.u32 s28, $0x1;
	[dreg:$0x2] =	wrdreg s4  }
0xaa: {  	[dreg:$0x3] =	wrdreg s6  }
0xab: {  	[dreg:$0x4] =	wrdreg $0xC0  }
0xac: {  	_ =	task [dreg:s8], $0x5FFFF  }
0xad: {  	[dreg:$0x1] =	wrdreg $0xFFFFFFFF  }
0xae: {  	[dreg:$0x0] =	wrdreg $0x60  }
0xaf: {  	[dreg:$0x2] =	wrdreg s2  }
0xb0: {  	[dreg:$0x3] =	wrdreg s24  }
0xb1: {  	[dreg:$0x4] =	wrdreg s18  }
0xb2: {  	[dreg:$0x5] =	wrdreg $0x90800  }
0xb3: {  	[dreg:$0x6] =	wrdreg $0x1D0800  }
0xb4: {  	[dreg:$0x7] =	wrdreg $0x9  }
0xb5: {  	_ =	task.clear_ibuf [dreg:s8], $0x8FFFF;
	_ =	strace $0x90000046  }
0xb6: {  	s29 =	simm.s32 $0x9;
	_ =	strace $0x80000048  }
0xb7: {  	_ =	swait.ge [sflag:s29], $0x1  }
0xb8: {  	[sflag:s29] =	ssyncadd.s32 $0xFFFFFFFF  }
0xb9: {  	_ =	strace $0x90000048  }
0xba: {  	_ =	sfence  }
0xbb: {  	s30 =	sld [smem:$0x0];
	_ =	sdelay $0x2  }
0xbc: {  	s31 =	sshll.u32 s1, $0xD;
	s1 =	sshrl.u32 s1, $0x2  }
0xbd: {  	s3 =	sand.u32 $0x4000, s31;
	s1 =	sadd.s32 s1, s30  }
0xbe: {  	s0 =	sor.u32 s3, s0;
	s1 =	sshll.u32 s1, $0x11  }
0xbf: {  	s0 =	sor.u32 s1, s0  }
0xc0: {  	s0 =	sadd.s32 $0x8F2B, s0  }
0xc1: {  	[sflag:s0] =	ssyncadd.remote.s32 $0x1  }
0xc2: {  	_ =	sfence.sel $0xFFFF  }
0xc3: {  	[dreg:$0x0] =	wrdreg $0xFFFFFFFF;
	(pc) =	sbr.abs _section_cstart, $3  }
0xc4: {  	[dreg:$0x1] =	wrdreg $0xFFFFFFFF  }
0xc5: {  	_ =	task.clear_ibuf [dreg:s8], $0x2FFFF;
	_ =	strace $0x9FFFFFFF  }
0xc6: {  	(tm) =	ssettm $0x7FFFFFFF  }
0xc7: {  	_ =	shalt  }
tec
execute0_lowered:
.L_overlay_start_1:
0x0: {  	(tag) =	ssettag $0x1  }
0x1: {  	s1 =	rddreg [dreg:$0x0]  }
0x2: {  	s9 =	rddreg [dreg:$0x1]  }
0x3: {  	s12 =	rddreg [dreg:$0x2]  }
0x4: {  	s0 =	srdreg.scid;
	s3 =	rddreg [dreg:$0x3]  }
0x5: {  	s4 =	rddreg [dreg:$0x4];
	s8 =	sand.u32 $0x1, s0  }
0x6: {  	s5 =	simm.s32 $0x0;
	s0 =	stileid.u32;
	s7 =	smul.u32 $0x140000, s8  }
0x7: {  	s19 =	simm.s32 $0x5000;
	s20 =	simm.s32 $0x1;
	s10 =	smul.u32 $0x14000, s0  }
0x8: {  	s21 =	simm.s32 $0x9000;
	s22 =	simm.s32 $0x2;
	s13 =	smul.u32 $0x50000, s0  }
0x9: {  	s23 =	simm.s32 $0x20;
	[smem:$0x7FF] =	sst s5;
	s15 =	smul.u32 $0xA00, s0  }
0xa: {  	s2 =	sshll.u32 s8, $0x4;
	s24 =	ssub.s32 $0x2, s8;
	s26 =	smul.u32 $0x500, s0  }
0xb: {  	s28 =	sshll.u32 s0, $0x6;
	s30 =	sshll.u32 s8, $0x7;
	s2 =	sor.u32 s0, s2  }
0xc: {  	s25 =	sshrl.u32 s24, $0x1;
	s8 =	sor.u32 $0x1C03, s28;
	s6 =	smul.u32 $0x500, s2  }
0xd: {  	s2 =	rddreg [dreg:$0x5];
	_ =	strace $0x80000047;
	s7 =	sadd.s32 s10, s7  }
0xe: {  	s13 =	sshrl.u32 s13, $0x2;
	s16 =	ssub.s32 s24, s25;
	s29 =	sshrl.u32 s15, $0x2  }
0xf: {  	s31 =	sor.u32 s30, s26;
	s15 =	simm.s32 $0x3;
	s24 =	simm.s32 $0x10  }
0x10: {  	s25 =	simm.s32 $0x0;
	s10 =	sshrl.u32 s7, $0x3;
	s7 =	sadd.s32 $0x16600, s9  }
0x11: {  	s17 =	sadd.s32 s13, s3;
	s18 =	sadd.s32 s29, s4;
	s13 =	sshrl.u32 s31, $0x3  }
0x12: {  	s11 =	sadd.s32 s6, s9;
	s6 =	sadd.s32 $0x16800, s9;
	s14 =	sadd.s32 s10, s9  }
0x13: {  	s12 =	sadd.s32 s12, s13;
	s13 =	smax.u32 s16, $0x1;
	s16 =	sshrl.u32 s18, $0x3  }
0x14: {  	s18 =	simm.s32 $0x80;
	s9 =	sadd.s32 $0xC600, s11;
	s10 =	sadd.s32 $0x2600, s11  }
0x15: {  	v0 =	vimm.f32 $1.000000000e+00;
	s11 =	sadd.s32 $0x19000, s14;
	s14 =	sshrl.u32 s17, $0x3;
	s17 =	simm.s32 $0x2800  }
.LBB2_1:
0x16: {  	[spmem:s14], [sflag:s8] =	dma.local [hbm:s6], $0x2800  }
0x17: {  	_ =	swait.ge [sflag:s15], $0x2800  }
0x18: {  	[sflag:s15] =	ssyncset.done $0x0  }
0x19: {  	[sflag:s15] =	ssyncadd.s32 $0xFFFFD800  }
0x1a: {  	[spmem:s16], [sflag:s8] =	dma.local [hbm:s7], $0x50  }
0x1b: {  	_ =	swait.ge [sflag:s15], $0x50  }
0x1c: {  	[sflag:s15] =	ssyncset.done $0x0  }
0x1d: {  	[sflag:s15] =	ssyncadd.s32 $0xFFFFFFB0  }
0x1e: {  	[tilespmem:$0x9000] =	vst v0  }
0x1f: {  	[tilespmem:$0x9010] =	vst v0  }
0x20: {  	[tilespmem:$0x9020] =	vst v0  }
0x21: {  	[tilespmem:$0x9030] =	vst v0  }
0x22: {  	[tilespmem:$0x9040] =	vst v0  }
0x23: {  	[tilespmem:$0x9050] =	vst v0  }
0x24: {  	[tilespmem:$0x9060] =	vst v0  }
0x25: {  	[tilespmem:$0x9070] =	vst v0  }
0x26: {  	[tilespmem:s5], [sflag:$0x3] =	stream.linear.gather [hbm4b:s9+s5], $0x2780, $0x38;
	[tilespmem:$0x1D300] =	vst v63  }
0x27: {  	_ =	swait.ge [sflag:s15], $0x2780  }
0x28: {  	[sflag:s15] =	ssyncset.done $0x0  }
0x29: {  	[sflag:s15] =	ssyncadd.s32 $0xFFFFD880  }
0x2a: {  	[tilespmem:s17], [sflag:$0x3] =	stream.linear.gather [hbm4b:s10+s5], $0x2780, $0x38;
	[tilespmem:$0x1D300] =	vst v63  }
0x2b: {  	_ =	swait.ge [sflag:s15], $0x2780  }
0x2c: {  	[sflag:s15] =	ssyncset.done $0x0  }
0x2d: {  	[sflag:s15] =	ssyncadd.s32 $0xFFFFD880  }
0x2e: {  	s26 =	simm.s32 $0x0;
	[bflag:$0x0] =	sbarrier.arrive $0xFFFF  }
0x2f: {  	[tilespmem:s19], [sflag:$0x1] =	stream.indirect.gather [hbm4b:s1+s18], $0x80, s26, s18, $0xb8;
	[tilespmem:$0x1D300] =	vst v63  }
0x30: {  	_ =	swait.ge [sflag:s20], $0x4000  }
0x31: {  	[sflag:s20] =	ssyncset.done $0x0  }
0x32: {  	s31 =	simm.s32 $0x2800;
	[sflag:s20] =	ssyncadd.s32 $0xFFFFC000  }
0x33: {  	[spmem:s4] =	stream.indirect.scatter.add.f32 [tilespmem:s21], [sflag:$0x2], $0x1, s31, s18, $0xb8;
	[tilespmem:$0x1D300] =	vst v63  }
0x34: {  	_ = 	snop  }
0x35: {  	[spmem:s3] =	stream.indirect.scatter.add.f32 [tilespmem:s19], [sflag:$0x3], $0x80, s31, s18, $0xb8;
	[tilespmem:$0x1D300] =	vst v63  }
0x36: {  	_ =	swait.ge [sflag:s15], $0x4000  }
0x37: {  	[sflag:s15] =	ssyncset.done $0x0  }
0x38: {  	[sflag:s15] =	ssyncadd.s32 $0xFFFFC000  }
0x39: {  	_ =	swait.ge [sflag:s22], $0x80  }
0x3a: {  	s28 =	simm.s32 $0x400;
	s26 =	simm.s32 $0x200;
	[sflag:s22] =	ssyncset.done $0x0  }
.LBB2_2:
0x3b: {  	s29 =	sshra.s32 s26, $0x2  }
0x3c: {  	[sflag:s22] =	ssyncadd.s32 $0xFFFFFF80;
	s26 =	smov.u32 s28;
	s30 =	sadd.s32 $0x200, s28  }
0x3d: {  	[tilespmem:s19], [sflag:$0x1] =	stream.indirect.gather [hbm4b:s1+s18], $0x80, s29, s18, $0xb8;
	[tilespmem:$0x1D300] =	vst v63  }
0x3e: {  	p0 =	sne.s32 s28, $0x9C00;
	_ =	swait.ge [sflag:s20], $0x4000  }
0x3f: {  	[sflag:s20] =	ssyncset.done $0x0  }
0x40: {  	s28 =	sadd.s32 $0x2800, s29;
	[sflag:s20] =	ssyncadd.s32 $0xFFFFC000  }
0x41: {  	[spmem:s4] =	stream.indirect.scatter.add.f32 [tilespmem:s21], [sflag:$0x2], $0x1, s28, s18, $0xb8;
	[tilespmem:$0x1D300] =	vst v63  }
0x42: {  	_ = 	snop  }
0x43: {  	[spmem:s3] =	stream.indirect.scatter.add.f32 [tilespmem:s19], [sflag:$0x3], $0x80, s28, s18, $0xb8;
	[tilespmem:$0x1D300] =	vst v63  }
.Ltmp0:
0x44: {  	_ =	swait.ge [sflag:s15], $0x4000;
	(pc) =	sbr.rel @p0 .LBB2_2-.Ltmp0, $4  }
0x45: {  	[sflag:s15] =	ssyncset.done $0x0  }
0x46: {  	[sflag:s15] =	ssyncadd.s32 $0xFFFFC000  }
0x47: {  	_ =	swait.ge [sflag:s22], $0x80  }
0x48: {  	s28 =	smov.u32 s30;
	[sflag:s22] =	ssyncset.done $0x0  }
0x49: {  	s26 =	sshra.s32 s26, $0x2;
	[sflag:s22] =	ssyncadd.s32 $0xFFFFFF80  }
0x4a: {  	[tilespmem:s19], [sflag:$0x1] =	stream.indirect.gather [hbm4b:s1+s18], $0x80, s26, s18, $0xb8;
	[tilespmem:$0x1D300] =	vst v63  }
0x4b: {  	_ =	swait.ge [sflag:s20], $0x4000  }
0x4c: {  	[sflag:s20] =	ssyncset.done $0x0  }
0x4d: {  	s26 =	sadd.s32 $0x2800, s26;
	[sflag:s20] =	ssyncadd.s32 $0xFFFFC000  }
0x4e: {  	[spmem:s4] =	stream.indirect.scatter.add.f32 [tilespmem:s21], [sflag:$0x2], $0x1, s26, s18, $0xb8;
	[tilespmem:$0x1D300] =	vst v63  }
0x4f: {  	_ = 	snop  }
0x50: {  	[spmem:s3] =	stream.indirect.scatter.add.f32 [tilespmem:s19], [sflag:$0x3], $0x80, s26, s18, $0xb8;
	[tilespmem:$0x1D300] =	vst v63  }
0x51: {  	_ =	swait.ge [sflag:s15], $0x4000  }
0x52: {  	[sflag:s15] =	ssyncset.done $0x0  }
0x53: {  	[sflag:s15] =	ssyncadd.s32 $0xFFFFC000  }
0x54: {  	_ =	swait.ge [sflag:s22], $0x80  }
0x55: {  	[sflag:s22] =	ssyncset.done $0x0  }
0x56: {  	[sflag:s22] =	ssyncadd.s32 $0xFFFFFF80  }
0x57: {  	[bflag:$0x0] =	sbarrier.arrive $0xFFFF  }
0x58: {  	[hbm:s11], [sflag:s8] =	dma.local [spmem:s14], $0x2800  }
0x59: {  	s25 =	sadd.s32 $0x1, s25;
	_ =	swait.ge [sflag:s15], $0x2800  }
0x5a: {  	p0 =	sne.s32 s25, s13;
	[sflag:s15] =	ssyncset.done $0x0  }
.Ltmp1:
0x5b: {  	[sflag:s15] =	ssyncadd.s32 $0xFFFFD800;
	(pc) =	sbr.rel @p0 .LBB2_1-.Ltmp1, $4  }
0x5c: {  	[hbm:s12@s23], [sflag:s8] =	dma.strided [spmem:s16@s24], $0x50, s20, $0x10   }
0x5d: {  	_ =	swait.ge [sflag:s15], $0x50  }
0x5e: {  	[sflag:s15] =	ssyncset.done $0x0  }
0x5f: {  	[sflag:s15] =	ssyncadd.s32 $0xFFFFFFB0  }
0x60: {  	_ =	sfence.sel $0x180000  }
0x61: {  	[bflag:$0x0] =	sbarrier.arrive $0xFFFF  }
0x62: {  	p0 =	sne.s32 s0, $0x0;
	_ =	strace $0x90000047  }
0x63: {  	s0 =	sadd.s32 @!p0 $0x100000, s2;
	[bflag:$0x2] =	sbarrier.arrive $0xFFFF  }
0x64: {  	[sflag:s0] =	ssyncadd.tile.s32 @!p0 $0x1;
	_ =	shalt  }
.Lfunc_end2:
_tile_overlayer_lowered:
.L_overlay_start_2:
0x65: {  	(tag) =	ssettag $0x2  }
0x66: {  	s0 =	rddreg [dreg:$0x0];
	s2 =	stileid.u32  }
0x67: {  	s1 =	rddreg [dreg:$0x1];
	p0 =	sne.s32 s2, $0x0  }
0x68: {  	s3 =	rddreg [dreg:$0x2];
	[bflag:$0x3] =	sbarrier.arrive $0xFFFF;
	s2 =	simm.s32 @!p0 $0x1C03  }
0x69: {  	[timem:s3], [sflag:s2] =	dma.local @!p0 [hbm:s0], s1  }
0x6a: {  	s0 =	simm.s32 @!p0 $0x3  }
0x6b: {  	_ =	swait.ge @!p0 [sflag:s0], s1  }
0x6c: {  	s1 =	ssub.s32 @!p0 $0x0, s1;
	[sflag:s0] =	ssyncset.done @!p0 $0x0  }
0x6d: {  	[sflag:s0] =	ssyncadd.s32 @!p0 s1  }
0x6e: {  	[bflag:$0x3] =	sbarrier.arrive $0xFFFF  }
0x6f: {  	_ =	shalt  }

// kernel: kernel.9.cloned.1.call-start
scs
__scs_entry_jumppad:
0x0: {  	(pc) =	sbr.rel $0x88, $3  }
0x1: {  	(tag) =	ssettag $0x0;
	lr =	simm.s32 $0x1  }
0x2: {  	[smem:$0x3F97] =	sst lr;
	_ =	strace $0xD0000000  }
0x3: {  	_ = 	snop  }
0x4: {  	_ = 	snop  }
0x5: {  	_ = 	snop  }
0x6: {  	_ = 	snop  }
0x7: {  	_ = 	snop  }
__scs_overlays_trampoline_lowered:
0x8: {  	[smem:$0x3FA6] =	sst s0  }
0x9: {  	[smem:$0x3FA7] =	sst s1  }
0xa: {  	[smem:$0x3FA8] =	sst s2  }
0xb: {  	[smem:$0x3FA9] =	sst s3  }
0xc: {  	[smem:$0x3FAA] =	sst s4  }
0xd: {  	[smem:$0x3FAB] =	sst s5  }
0xe: {  	[smem:$0x3FAC] =	sst s6  }
0xf: {  	[smem:$0x3FAD] =	sst s7  }
0x10: {  	[smem:$0x3FAE] =	sst s8  }
0x11: {  	[smem:$0x3FAF] =	sst s9;
	s0 =	simm.s32 @!p0 $0x0  }
0x12: {  	s1 =	sld [smem:$0x3F95];
	s0 =	simm.s32 @p0 $0x1  }
0x13: {  	[smem:$0x3FB0] =	sst s0;
	s0 =	simm.s32 @!p1 $0x0  }
0x14: {  	s2 =	sld [smem:$0x3F94];
	s0 =	simm.s32 @p1 $0x1  }
0x15: {  	[smem:$0x3FB1] =	sst s0;
	s0 =	simm.s32 @!p2 $0x0  }
0x16: {  	s3 =	sld [smem:$0x3FDB];
	s0 =	simm.s32 @p2 $0x1  }
0x17: {  	s4 =	simm.s32 $0x1BF5;
	[smem:$0x3FB3] =	sst s0  }
0x18: {  	s0 =	sld [smem:$0x3F96];
	_ =	swait.ge [sflag:s4], $0x0  }
0x19: {  	s7 =	sld [smem:$0x3F97]  }
0x1a: {  	s8 =	sadd.s32 $0xFFFFE003, lr  }
0x1b: {  	s9 =	sadd.s32 $0xFFFFFEF7, lr;
	s5 =	simm.s32 $0xFFFFFFFF;
	p2 =	slt.u32 s8, $0xFFFFF086  }
0x1c: {  	p1 =	slt.u32 s9, $0xF7A;
	s5 =	simm.s32 @!p2 $0x0  }
0x1d: {  	s5 =	simm.s32 @p1 $0x1;
	p0 =	seq.s32 s7, s2  }
0x1e: {  	s7 =	smul.u32 @!p0 $0xF7A, s2;
	p2 =	seq.s32 @!p0 s5, $0x0  }
0x1f: {  	s9 =	smul.u32 $0xF7A, s1;
	s8 =	simm.s32 @!p0 $0x1BF5;
	p2 =	por !p2, p0  }
0x20: {  	[sflag:s8] =	ssyncset.s32 @!p0 $0xFFFFF086;
	s6 =	sadd.s32 @!p0 s3, s7;
	s7 =	simm.s32 @!p0 $0x108  }
0x21: {  	s3 =	sadd.s32 s3, s9;
	s6 =	sadd.s32 @!p0 $0x88, s6;
	s7 =	simm.s32 @p2 $0x1082  }
0x22: {  	[simem:s7], [sflag:s8] =	dma.local @!p0 [hbm:s6], $0xF7A  }
0x23: {  	s9 =	sor.u32 $0xD0000000, s2;
	s6 =	simm.s32 $0x108;
	_ =	swait.ge @!p0 [sflag:s8], $0x0  }
0x24: {  	s3 =	sadd.s32 $0x88, s3;
	s6 =	simm.s32 @!p1 $0x1082;
	[sflag:s4] =	ssyncset.s32 $0xFFFFF086  }
0x25: {  	[simem:s6], [sflag:s4] =	dma.local [hbm:s3], $0xF7A  }
0x26: {  	[smem:$0x3F97] =	sst s1;
	(tag) =	ssettag s2;
	_ =	strace s9  }
0x27: {  	s1 =	sld [smem:$0x3FA7]  }
0x28: {  	s2 =	sld [smem:$0x3FA8]  }
0x29: {  	s4 =	sld [smem:$0x3FAA]  }
0x2a: {  	p0 =	seq.s32 s5, $0x0;
	s5 =	sld [smem:$0x3FAB]  }
0x2b: {  	s6 =	sld [smem:$0x3FAC]  }
0x2c: {  	s7 =	sld [smem:$0x3FAD]  }
0x2d: {  	s3 =	simm.s32 $0x108;
	s8 =	sld [smem:$0x3FAE]  }
0x2e: {  	s3 =	simm.s32 @!p0 $0x1082;
	s9 =	sld [smem:$0x3FAF]  }
0x2f: {  	lr =	sadd.s32 s0, s3;
	s0 =	sld [smem:$0x3FA6]  }
0x30: {  	s3 =	sld [smem:$0x3FA9]  }
0x31: {  	[smem:$0x3FB2] =	sst s10  }
0x32: {  	s10 =	sld [smem:$0x3FB0];
	_ =	sdelay $0x3  }
0x33: {  	p0 =	seq.s32 s10, $0x1;
	s10 =	sld [smem:$0x3FB2];
	_ =	sdelay $0x3  }
0x34: {  	[smem:$0x3FB2] =	sst s10  }
0x35: {  	s10 =	sld [smem:$0x3FB1];
	_ =	sdelay $0x3  }
0x36: {  	p1 =	seq.s32 s10, $0x1;
	s10 =	sld [smem:$0x3FB2];
	_ =	sdelay $0x3  }
0x37: {  	[smem:$0x3FB2] =	sst s10  }
0x38: {  	s10 =	sld [smem:$0x3FB3]  }
0x39: {  	_ = 	snop;
	(pc) =	sbr.ind lr, $3  }
0x3a: {  	_ = 	snop  }
0x3b: {  	_ = 	snop  }
0x3c: {  	p2 =	seq.s32 s10, $0x1;
	s10 =	sld [smem:$0x3FB2]  }
0x3d: {  	_ =	shalt  }
0x3e: {  	_ =	shalt  }
0x3f: {  	_ =	shalt  }
0x40: {  	_ =	shalt  }
0x41: {  	_ =	shalt  }
0x42: {  	_ =	shalt  }
0x43: {  	_ =	shalt  }
0x44: {  	_ =	shalt  }
0x45: {  	_ =	shalt  }
0x46: {  	_ =	shalt  }
0x47: {  	_ =	shalt  }
0x48: {  	_ =	shalt  }
0x49: {  	_ =	shalt  }
0x4a: {  	_ =	shalt  }
0x4b: {  	_ =	shalt  }
0x4c: {  	_ =	shalt  }
0x4d: {  	_ =	shalt  }
0x4e: {  	_ =	shalt  }
0x4f: {  	_ =	shalt  }
0x50: {  	_ =	shalt  }
0x51: {  	_ =	shalt  }
0x52: {  	_ =	shalt  }
0x53: {  	_ =	shalt  }
0x54: {  	_ =	shalt  }
0x55: {  	_ =	shalt  }
0x56: {  	_ =	shalt  }
0x57: {  	_ =	shalt  }
0x58: {  	_ =	shalt  }
0x59: {  	_ =	shalt  }
0x5a: {  	_ =	shalt  }
0x5b: {  	_ =	shalt  }
0x5c: {  	_ =	shalt  }
0x5d: {  	_ =	shalt  }
0x5e: {  	_ =	shalt  }
0x5f: {  	_ =	shalt  }
0x60: {  	_ =	shalt  }
0x61: {  	_ =	shalt  }
0x62: {  	_ =	shalt  }
0x63: {  	_ =	shalt  }
0x64: {  	_ =	shalt  }
0x65: {  	_ =	shalt  }
0x66: {  	_ =	shalt  }
0x67: {  	_ =	shalt  }
0x68: {  	_ =	shalt  }
0x69: {  	_ =	shalt  }
0x6a: {  	_ =	shalt  }
0x6b: {  	_ =	shalt  }
0x6c: {  	_ =	shalt  }
0x6d: {  	_ =	shalt  }
0x6e: {  	_ =	shalt  }
0x6f: {  	_ =	shalt  }
0x70: {  	_ =	shalt  }
0x71: {  	_ =	shalt  }
0x72: {  	_ =	shalt  }
0x73: {  	_ =	shalt  }
0x74: {  	_ =	shalt  }
0x75: {  	_ =	shalt  }
0x76: {  	_ =	shalt  }
0x77: {  	_ =	shalt  }
0x78: {  	_ =	shalt  }
0x79: {  	_ =	shalt  }
0x7a: {  	_ =	shalt  }
0x7b: {  	_ =	shalt  }
0x7c: {  	_ =	shalt  }
0x7d: {  	_ =	shalt  }
0x7e: {  	_ =	shalt  }
0x7f: {  	_ =	shalt  }
0x80: {  	_ =	shalt  }
0x81: {  	_ =	shalt  }
0x82: {  	_ =	shalt  }
0x83: {  	_ =	shalt  }
0x84: {  	_ =	shalt  }
0x85: {  	_ =	shalt  }
0x86: {  	_ =	shalt  }
0x87: {  	_ =	shalt  }
.Lfunc_end0:
.L_simem_size_0:
called_computation.1_lowered:
.L_overlay_start_0:
0x88: {  	s2 =	sld [smem:$0x3FD9]  }
0x89: {  	s3 =	sld [smem:$0x3FFE];
	_ =	sdelay $0x1  }
0x8a: {  	s1 =	srdreg.scid  }
0x8b: {  	s0 =	sand.u32 $0x1, s1  }
0x8c: {  	s17 =	sshll.u32 s0, $0xA;
	s2 =	sadd.s32 s3, s2  }
0x8d: {  	s2 =	sadd.s32 s2, s17  }
0x8e: {  	[smem:$0x3FBE] =	sst s2  }
0x8f: {  	_ = 	snop  }
0x90: {  	s2 =	sld [smem:$0x3FD0];
	(tm) =	ssettm $0x1  }
0x91: {  	s18 =	sld [smem:$0x3FFB];
	_ =	sdelay $0x3  }
0x92: {  	_ =	strace s18  }
0x93: {  	s3 =	sld [smem:$0x3FFC];
	_ =	sdelay $0x3  }
0x94: {  	_ =	strace s3  }
0x95: {  	s3 =	sld [smem:$0x3FFD];
	_ =	sdelay $0x3  }
0x96: {  	_ =	strace s3  }
0x97: {  	_ =	strace $0x8FFFFFFF  }
0x98: {  	s19 =	sld [smem:$0x3FDB];
	_ =	sdelay $0x1  }
0x99: {  	s4 =	simm.s32 $_scs_section_size  }
0x9a: {  	s5 =	simm.s32 $_size__tile_overlayer_lowered;
	s6 =	simm.s32 $_tile_overlayer_lowered  }
0x9b: {  	s22 =	simm.s32 $0x1BFF;
	s21 =	sshll.u32 s6, $0x1;
	s3 =	sadd.s32 s4, s19  }
0x9c: {  	s7 =	simm.s32 $0x0;
	s20 =	sshll.u32 s5, $0x1;
	s5 =	sadd.s32 s21, s3  }
0x9d: {  	[timem:s7], [sflag:s22] =	dma.local [hbm:s5], s20  }
0x9e: {  	_ =	swait.ge [sflag:s22], s20  }
0x9f: {  	s4 =	ssub.s32 $0x0, s20;
	[sflag:s22] =	ssyncset.done $0x0  }
0xa0: {  	[sflag:s22] =	ssyncadd.s32 s4;
	_ =	sdelay $0x1  }
0xa1: {  	s23 =	simm.s32 $0x1B8B  }
0xa2: {  	_ =	swait.ge [sflag:s23], $0x1  }
0xa3: {  	[sflag:s23] =	ssyncset.done $0x0  }
0xa4: {  	s25 =	simm.s32 $0x1B8E;
	s24 =	sld [smem:$0x3FFE];
	[sflag:s23] =	ssyncadd.s32 $0xFFFFFFFF  }
0xa5: {  	s26 =	simm.s32 $execute0_lowered;
	[smem:$0x3FD2] =	sst s25  }
0xa6: {  	s5 =	sshll.u32 s26, $0x1;
	_ =	strace $0x80000049;
	[dreg:$0x1] =	wrdreg $0xFFFFFFFF  }
0xa7: {  	s28 =	simm.s32 $_size_execute0_lowered;
	s3 =	sadd.s32 s3, s5;
	[dreg:$0x0] =	wrdreg $0x0  }
0xa8: {  	s5 =	sshll.u32 s28, $0x1;
	[dreg:$0x2] =	wrdreg s3  }
0xa9: {  	[dreg:$0x3] =	wrdreg s5  }
0xaa: {  	[dreg:$0x4] =	wrdreg $0xC0  }
0xab: {  	_ =	task [dreg:s7], $0x5FFFF  }
0xac: {  	[dreg:$0x1] =	wrdreg $0xFFFFFFFF  }
0xad: {  	[dreg:$0x0] =	wrdreg $0x60  }
0xae: {  	[dreg:$0x2] =	wrdreg s2  }
0xaf: {  	[dreg:$0x3] =	wrdreg s24  }
0xb0: {  	[dreg:$0x4] =	wrdreg $0x90000  }
0xb1: {  	[dreg:$0x5] =	wrdreg $0x9  }
0xb2: {  	_ =	task.clear_ibuf [dreg:s7], $0x6FFFF;
	_ =	strace $0x90000049  }
0xb3: {  	s29 =	simm.s32 $0x9;
	_ =	strace $0x8000004B  }
0xb4: {  	_ =	swait.ge [sflag:s29], $0x1  }
0xb5: {  	[sflag:s29] =	ssyncadd.s32 $0xFFFFFFFF  }
0xb6: {  	_ =	strace $0x9000004B  }
0xb7: {  	_ =	sfence  }
0xb8: {  	s30 =	sld [smem:$0x0];
	_ =	sdelay $0x2  }
0xb9: {  	s31 =	sshll.u32 s1, $0xD;
	s1 =	sshrl.u32 s1, $0x2  }
0xba: {  	s3 =	sand.u32 $0x4000, s31;
	s1 =	sadd.s32 s1, s30  }
0xbb: {  	s0 =	sor.u32 s3, s0;
	s1 =	sshll.u32 s1, $0x11  }
0xbc: {  	s0 =	sor.u32 s1, s0  }
0xbd: {  	s0 =	sadd.s32 $0x8F2B, s0  }
0xbe: {  	[sflag:s0] =	ssyncadd.remote.s32 $0x1  }
0xbf: {  	_ =	sfence.sel $0xFFFF  }
0xc0: {  	[dreg:$0x0] =	wrdreg $0xFFFFFFFF;
	(pc) =	sbr.abs _section_cstart, $3  }
0xc1: {  	[dreg:$0x1] =	wrdreg $0xFFFFFFFF  }
0xc2: {  	_ =	task.clear_ibuf [dreg:s7], $0x2FFFF;
	_ =	strace $0x9FFFFFFF  }
0xc3: {  	(tm) =	ssettm $0x7FFFFFFF  }
tec
execute0_lowered:
.L_overlay_start_1:
0x0: {  	(tag) =	ssettag $0x1  }
0x1: {  	s1 =	rddreg [dreg:$0x0]  }
0x2: {  	s0 =	srdreg.scid;
	s7 =	rddreg [dreg:$0x1]  }
0x3: {  	s3 =	rddreg [dreg:$0x2];
	s4 =	simm.s32 $0x0;
	s14 =	simm.s32 $0x80  }
0x4: {  	s15 =	simm.s32 $0x5000;
	s16 =	simm.s32 $0x1;
	s6 =	sand.u32 $0x1, s0  }
0x5: {  	s17 =	simm.s32 $0x0;
	s0 =	stileid.u32;
	s8 =	smul.u32 $0x140000, s6  }
0x6: {  	[smem:$0x7FF] =	sst s4;
	s2 =	sshll.u32 s6, $0x4;
	s9 =	smul.u32 $0x14000, s0  }
0x7: {  	s28 =	smul.u32 $0x50000, s0;
	s6 =	ssub.s32 $0x2, s6;
	s2 =	sor.u32 s0, s2  }
0x8: {  	s31 =	sshll.u32 s0, $0x6;
	s29 =	sshrl.u32 s6, $0x1;
	s5 =	smul.u32 $0x500, s2  }
0x9: {  	s2 =	rddreg [dreg:$0x3];
	_ =	strace $0x8000004A;
	s8 =	sadd.s32 s9, s8  }
0xa: {  	s30 =	sshrl.u32 s28, $0x2;
	s12 =	ssub.s32 s6, s29;
	s6 =	sor.u32 $0x1C02, s31  }
0xb: {  	s8 =	sshrl.u32 s8, $0x3;
	s13 =	sadd.s32 s30, s3;
	s10 =	sadd.s32 s5, s7  }
0xc: {  	s5 =	sadd.s32 $0x16800, s7;
	s11 =	sadd.s32 s8, s7;
	s7 =	sadd.s32 $0xC600, s10  }
0xd: {  	s8 =	sadd.s32 $0x2600, s10;
	s9 =	sadd.s32 $0x67C00, s11;
	s10 =	smax.u32 s12, $0x1  }
0xe: {  	s11 =	sshrl.u32 s13, $0x3;
	s12 =	simm.s32 $0x2;
	s13 =	simm.s32 $0x2800  }
.LBB2_1:
0xf: {  	[spmem:s11], [sflag:s6] =	dma.local [hbm:s5], $0x2800  }
0x10: {  	_ =	swait.ge [sflag:s12], $0x2800  }
0x11: {  	[sflag:s12] =	ssyncset.done $0x0  }
0x12: {  	[sflag:s12] =	ssyncadd.s32 $0xFFFFD800  }
0x13: {  	[tilespmem:s4], [sflag:$0x2] =	stream.linear.gather [hbm4b:s7+s4], $0x2780, $0x38;
	[tilespmem:$0x1D000] =	vst v63  }
0x14: {  	_ =	swait.ge [sflag:s12], $0x2780  }
0x15: {  	[sflag:s12] =	ssyncset.done $0x0  }
0x16: {  	[sflag:s12] =	ssyncadd.s32 $0xFFFFD880  }
0x17: {  	[tilespmem:s13], [sflag:$0x2] =	stream.linear.gather [hbm4b:s8+s4], $0x2780, $0x38;
	[tilespmem:$0x1D000] =	vst v63  }
0x18: {  	_ =	swait.ge [sflag:s12], $0x2780  }
0x19: {  	[sflag:s12] =	ssyncset.done $0x0  }
0x1a: {  	[sflag:s12] =	ssyncadd.s32 $0xFFFFD880  }
0x1b: {  	s18 =	simm.s32 $0x0;
	[bflag:$0x0] =	sbarrier.arrive $0xFFFF  }
0x1c: {  	[tilespmem:s15], [sflag:$0x1] =	stream.indirect.gather [hbm4b:s1+s14], $0x80, s18, s14, $0xb8;
	[tilespmem:$0x1D000] =	vst v63  }
0x1d: {  	_ =	swait.ge [sflag:s16], $0x4000  }
0x1e: {  	[sflag:s16] =	ssyncset.done $0x0  }
0x1f: {  	s31 =	simm.s32 $0x2800;
	[sflag:s16] =	ssyncadd.s32 $0xFFFFC000  }
0x20: {  	[spmem:s3] =	stream.indirect.scatter.add.f32 [tilespmem:s15], [sflag:$0x2], $0x80, s31, s14, $0xb8;
	[tilespmem:$0x1D000] =	vst v63  }
0x21: {  	_ =	swait.ge [sflag:s12], $0x4000  }
0x22: {  	s19 =	simm.s32 $0x400;
	s18 =	simm.s32 $0x200;
	[sflag:s12] =	ssyncset.done $0x0  }
.LBB2_2:
0x23: {  	s20 =	sshra.s32 s18, $0x2  }
0x24: {  	[sflag:s12] =	ssyncadd.s32 $0xFFFFC000;
	s18 =	smov.u32 s19;
	s21 =	sadd.s32 $0x200, s19  }
0x25: {  	[tilespmem:s15], [sflag:$0x1] =	stream.indirect.gather [hbm4b:s1+s14], $0x80, s20, s14, $0xb8;
	[tilespmem:$0x1D000] =	vst v63  }
0x26: {  	p0 =	sne.s32 s19, $0x9C00;
	_ =	swait.ge [sflag:s16], $0x4000  }
.Ltmp0:
0x27: {  	[sflag:s16] =	ssyncset.done $0x0;
	(pc) =	sbr.rel @p0 .LBB2_2-.Ltmp0, $4  }
0x28: {  	s19 =	sadd.s32 $0x2800, s20;
	[sflag:s16] =	ssyncadd.s32 $0xFFFFC000  }
0x29: {  	[spmem:s3] =	stream.indirect.scatter.add.f32 [tilespmem:s15], [sflag:$0x2], $0x80, s19, s14, $0xb8;
	[tilespmem:$0x1D000] =	vst v63  }
0x2a: {  	_ =	swait.ge [sflag:s12], $0x4000  }
0x2b: {  	s19 =	smov.u32 s21;
	[sflag:s12] =	ssyncset.done $0x0  }
0x2c: {  	s18 =	sshra.s32 s18, $0x2;
	[sflag:s12] =	ssyncadd.s32 $0xFFFFC000  }
0x2d: {  	[tilespmem:s15], [sflag:$0x1] =	stream.indirect.gather [hbm4b:s1+s14], $0x80, s18, s14, $0xb8;
	[tilespmem:$0x1D000] =	vst v63  }
0x2e: {  	_ =	swait.ge [sflag:s16], $0x4000  }
0x2f: {  	[sflag:s16] =	ssyncset.done $0x0  }
0x30: {  	s18 =	sadd.s32 $0x2800, s18;
	[sflag:s16] =	ssyncadd.s32 $0xFFFFC000  }
0x31: {  	[spmem:s3] =	stream.indirect.scatter.add.f32 [tilespmem:s15], [sflag:$0x2], $0x80, s18, s14, $0xb8;
	[tilespmem:$0x1D000] =	vst v63  }
0x32: {  	_ =	swait.ge [sflag:s12], $0x4000  }
0x33: {  	s17 =	sadd.s32 $0x1, s17;
	[sflag:s12] =	ssyncset.done $0x0  }
0x34: {  	p0 =	sne.s32 s17, s10;
	[sflag:s12] =	ssyncadd.s32 $0xFFFFC000  }
.Ltmp1:
0x35: {  	[bflag:$0x0] =	sbarrier.arrive $0xFFFF;
	(pc) =	sbr.rel @p0 .LBB2_1-.Ltmp1, $4  }
0x36: {  	[hbm:s9], [sflag:s6] =	dma.local [spmem:s11], $0x2800  }
0x37: {  	_ =	swait.ge [sflag:s12], $0x2800  }
0x38: {  	[sflag:s12] =	ssyncset.done $0x0  }
0x39: {  	[sflag:s12] =	ssyncadd.s32 $0xFFFFD800  }
0x3a: {  	_ =	sfence.sel $0x180000  }
0x3b: {  	[bflag:$0x0] =	sbarrier.arrive $0xFFFF  }
0x3c: {  	p0 =	sne.s32 s0, $0x0;
	_ =	strace $0x9000004A  }
0x3d: {  	s0 =	sadd.s32 @!p0 $0x100000, s2;
	[bflag:$0x2] =	sbarrier.arrive $0xFFFF  }
0x3e: {  	[sflag:s0] =	ssyncadd.tile.s32 @!p0 $0x1;
	_ =	shalt  }
.Lfunc_end2:
_tile_overlayer_lowered:
.L_overlay_start_2:
0x3f: {  	(tag) =	ssettag $0x2  }
0x40: {  	s0 =	rddreg [dreg:$0x0];
	s2 =	stileid.u32  }
0x41: {  	s1 =	rddreg [dreg:$0x1];
	p0 =	sne.s32 s2, $0x0  }
0x42: {  	s3 =	rddreg [dreg:$0x2];
	[bflag:$0x3] =	sbarrier.arrive $0xFFFF;
	s2 =	simm.s32 @!p0 $0x1C02  }
0x43: {  	[timem:s3], [sflag:s2] =	dma.local @!p0 [hbm:s0], s1  }
0x44: {  	s0 =	simm.s32 @!p0 $0x2  }
0x45: {  	_ =	swait.ge @!p0 [sflag:s0], s1  }
0x46: {  	s1 =	ssub.s32 @!p0 $0x0, s1;
	[sflag:s0] =	ssyncset.done @!p0 $0x0  }
0x47: {  	[sflag:s0] =	ssyncadd.s32 @!p0 s1  }
0x48: {  	[bflag:$0x3] =	sbarrier.arrive $0xFFFF  }
0x49: {  	_ =	shalt  }

</sc_bundles>
